<compile_context>
chip_gen: v7x
topology: tpu7x:2x2x1
jax: 0.10.2.dev20260603
libtpu: 0.0.44.dev20260713+nightly
codegen_flags: <defaults>
</compile_context>

<pallas_src>
import functools

import jax
import jax.numpy as jnp
from jax import lax
from jax.experimental import pallas as pl
from jax.experimental.pallas import tpu as pltpu
from jax.experimental.pallas import tpu_sc as plsc

F = 26
V = 100000
E = 32
B = 4096
HID = 128

_info = plsc.get_sparse_core_info()
NC = _info.num_cores
NS = _info.num_subcores
NW = NC * NS
BPW = B // NW
RPW = F * BPW

TCH = 4096
NCH = V // TCH
TTAIL = V - NCH * TCH


def _tr_body(x_ref, o_ref, scratch):
    eye = jnp.eye(E, dtype=jnp.float32)

    def emit(c, n, buf):
        xs = x_ref[0, :, pl.ds(c * TCH, n)]
        scratch[buf, pl.ds(0, n), :] = lax.dot_general(
            xs, eye, (((0,), (0,)), ((), ())),
            preferred_element_type=jnp.float32,
        )
        o_ref[0, pl.ds(c * (TCH // 4), n // 4), :] = jnp.concatenate(
            [scratch[buf, pl.Slice(m, n // 4, 4), :] for m in range(4)],
            axis=1,
        )

    def chunk(i, carry):
        for u in range(4):
            emit(4 * i + u, TCH, u)
        return carry

    lax.fori_loop(0, NCH // 4, chunk, 0)
    emit(NCH, TTAIL, 0)


def _to_rows(tables_t):
    return pl.pallas_call(
        _tr_body,
        grid=(F,),
        in_specs=[pl.BlockSpec((1, E, V), lambda f: (f, 0, 0))],
        out_specs=pl.BlockSpec((1, V // 4, 4 * E), lambda f: (f, 0, 0)),
        out_shape=jax.ShapeDtypeStruct((F, V // 4, 4 * E), jnp.float32),
        scratch_shapes=[pltpu.VMEM((4, TCH, E), jnp.float32)],
        compiler_params=pltpu.CompilerParams(
            vmem_limit_bytes=62 * 1024 * 1024
        ),
    )(tables_t)


def _sc_gather(flat_tables, categorical_vars):
    mesh = plsc.VectorSubcoreMesh(core_axis_name="c", subcore_axis_name="s")

    @functools.partial(
        pl.kernel,
        mesh=mesh,
        out_type=jax.ShapeDtypeStruct((B, F * E), jnp.float32),
        scratch_types=[
            pltpu.VMEM((F, BPW), jnp.int32),
            pltpu.VMEM((F, BPW), jnp.int32),
            pltpu.VMEM((RPW, E), jnp.float32),
            pltpu.SemaphoreType.DMA,
            pltpu.SemaphoreType.DMA,
        ],
        compiler_params=pltpu.CompilerParams(use_tc_tiling_on_sc=False),
    )
    def k(tbl_hbm, idx_hbm, out_hbm, idx_raw, pidx, rows, gsem, wsem):
        wid = lax.axis_index("s") * NC + lax.axis_index("c")
        b0 = wid * BPW
        pltpu.sync_copy(idx_hbm.at[:, pl.ds(b0, BPW)], idx_raw)

        n_chunk = BPW // 16

        def off_body(i, carry):
            f = i // n_chunk
            c = i - f * n_chunk
            sl = pl.ds(c * 16, 16)
            pidx[f, sl] = idx_raw[f, sl] + f * V
            return carry

        lax.fori_loop(0, F * n_chunk, off_body, 0)

        def g_body(j, carry):
            pltpu.make_async_copy(
                tbl_hbm.at[pidx.at[j]], rows.at[pl.ds(j * BPW, BPW)], gsem
            ).start()
            return carry

        lax.fori_loop(0, F, g_body, 0)

        def gw_body(j, carry):
            pltpu.make_async_copy(
                tbl_hbm.at[pidx.at[j]], rows.at[pl.ds(j * BPW, BPW)], gsem
            ).wait()
            return carry

        lax.fori_loop(0, F, gw_body, 0)

        def w_body(j, carry):
            pltpu.make_async_copy(
                rows.at[pl.ds(j * BPW, BPW)],
                out_hbm.at[pl.ds(b0, BPW), pl.ds(j * E, E)],
                wsem,
            ).start()
            return carry

        lax.fori_loop(0, F, w_body, 0)

        def ww_body(j, carry):
            pltpu.make_async_copy(
                rows.at[pl.ds(j * BPW, BPW)],
                out_hbm.at[pl.ds(b0, BPW), pl.ds(j * E, E)],
                wsem,
            ).wait()
            return carry

        lax.fori_loop(0, F, ww_body, 0)

    return k(flat_tables, categorical_vars)


def _mlp_body(x_ref, w1_ref, b1_ref, w2_ref, b2_ref, o_ref):
    h = jnp.dot(x_ref[...], w1_ref[...], preferred_element_type=jnp.float32)
    h = jnp.maximum(h + b1_ref[...], 0.0)
    o = jnp.dot(h, w2_ref[...], preferred_element_type=jnp.float32)
    o_ref[...] = o + b2_ref[...]


def _mlp(cond, W1, b1, W2, b2):
    nblk = 8
    rows = B // nblk
    return pl.pallas_call(
        _mlp_body,
        grid=(nblk,),
        in_specs=[
            pl.BlockSpec((rows, F * E), lambda i: (i, 0)),
            pl.BlockSpec((F * E, HID), lambda i: (0, 0)),
            pl.BlockSpec((1, HID), lambda i: (0, 0)),
            pl.BlockSpec((HID, E), lambda i: (0, 0)),
            pl.BlockSpec((1, E), lambda i: (0, 0)),
        ],
        out_specs=pl.BlockSpec((rows, E), lambda i: (i, 0)),
        out_shape=jax.ShapeDtypeStruct((B, E), jnp.float32),
    )(cond, W1, b1.reshape(1, HID), W2, b2.reshape(1, E))


def kernel(categorical_vars, tables, W1, b1, W2, b2):
    tables_t = jnp.swapaxes(tables, 1, 2)
    t3 = _to_rows(tables_t)
    flat = t3.reshape(F * (V // 4), 4 * E)
    tbl2d = flat.reshape(F * V, E)
    cond = _sc_gather(tbl2d, categorical_vars)
    return _mlp(cond, W1, b1, W2, b2)

# --- scband reference (transcript-rebuilt; emitter-appended) ---
"""Pipeline reference for scband-conditioning-module-46815143526528 (READ-ONLY COPY).

The authoritative reference and input builder live on the scoring server;
editing this copy changes nothing except your own understanding.
"""

import jax, jax.numpy as jnp
import numpy as np

N_FIELDS = 26
VOCAB = 100000
EMB = 32
B = 4096
HID = 128

def setup_inputs(seed: int = 0) -> dict:
    key = jax.random.key(seed)
    ks = jax.random.split(key, 6)
    categorical_vars = jax.random.randint(ks[0], (N_FIELDS, B), 0, VOCAB, dtype=jnp.int32)
    tables = jax.random.normal(ks[1], (N_FIELDS, VOCAB, EMB), dtype=jnp.float32) * 0.05
    W1 = jax.random.normal(ks[2], (N_FIELDS * EMB, HID), dtype=jnp.float32) * 0.02
    b1 = jnp.zeros((HID,), dtype=jnp.float32)
    W2 = jax.random.normal(ks[3], (HID, EMB), dtype=jnp.float32) * 0.02
    b2 = jnp.zeros((EMB,), dtype=jnp.float32)
    return {"categorical_vars": categorical_vars, "tables": tables, "W1": W1, "b1": b1, "W2": W2, "b2": b2}

def reference(categorical_vars, tables, W1, b1, W2, b2):
    # one embedding lookup per categorical field (ModuleDict of nn.Embedding)
    emb = jax.vmap(lambda t, idx: jnp.take(t, idx, axis=0))(tables, categorical_vars)  # [F, B, E]
    conditioning_matrix = jnp.transpose(emb, (1, 0, 2)).reshape(B, N_FIELDS * EMB)  # torch.cat(embeddings, dim=1)
    h = jnp.maximum(conditioning_matrix @ W1 + b1, 0.0)  # Linear + ReLU
    conditioning_vector = h @ W2 + b2  # Linear
    return conditioning_vector

if __name__ == "__main__":
    import jax
    _d = setup_inputs()
    print(jax.jit(kernel)(*tuple(_d.values())))

</pallas_src>

<mosaic_0001>
#map = affine_map<(d0, d1) -> (0, 0)>
module attributes {stable_mosaic.version = 14 : i64} {
  func.func @k(%arg0: i32, %arg1: i32, %arg2: memref<2600000x32xf32, #tpu.memory_space<hbm>>, %arg3: memref<26x4096xi32, #tpu.memory_space<hbm>>, %arg4: memref<4096x832xf32, #tpu.memory_space<hbm>>, %arg5: memref<26x128xi32, #tpu.memory_space<vmem>>, %arg6: memref<26x128xi32, #tpu.memory_space<vmem>>, %arg7: memref<3328x32xf32, #tpu.memory_space<vmem>>, %arg8: memref<!tpu.dma_semaphore, #tpu.memory_space<semaphore_mem>>, %arg9: memref<!tpu.dma_semaphore, #tpu.memory_space<semaphore_mem>>) attributes {dimension_semantics = [#tpu.dimension_semantics<core_parallel>, #tpu.dimension_semantics<subcore_parallel>], iteration_bounds = array<i64: 2, 16>, scalar_prefetch = 0 : i64, scratch_operands = 5 : i64, tpu.core_type = #tpu.core_type<sc_vector_subcore>, window_params = [{transform_indices = #map}, {transform_indices = #map}, {transform_indices = #map}]} {
    %mul3A = arith.constant 2 : i32
    %mul3A_0 = arith.muli %arg1, %mul3A : i32
    %add3A = arith.addi %mul3A_0, %arg0 : i32
    %mul3A_1 = arith.constant 128 : i32
    %mul3A_2 = arith.muli %add3A, %mul3A_1 : i32
    "tpu.region"() ({
      %run_scoped3A = tpu.sem_alloc : memref<!tpu.dma_semaphore, #tpu.memory_space<semaphore_mem>>
      %dma_start3A = arith.constant 0 : i32
      %dma_start3A_32 = tpu.memref_slice %arg3[%dma_start3A, %mul3A_2] : memref<26x4096xi32, #tpu.memory_space<hbm>> -> memref<26x128xi32, #tpu.memory_space<hbm>>
      %dma_start3A_33 = arith.constant 0 : i32
      %dma_start3A_34 = tpu.memref_slice %arg3[%dma_start3A_33, %mul3A_2] : memref<26x4096xi32, #tpu.memory_space<hbm>> -> memref<26x128xi32, #tpu.memory_space<hbm>>
      tpu.enqueue_dma source(%dma_start3A_34 : memref<26x128xi32, #tpu.memory_space<hbm>>) target(%arg5 : memref<26x128xi32, #tpu.memory_space<vmem>>) target_semaphore(%run_scoped3A : memref<!tpu.dma_semaphore, #tpu.memory_space<semaphore_mem>>)
      %dma_wait3A = arith.constant 0 : i32
      %dma_wait3A_35 = tpu.memref_slice %arg3[%dma_wait3A, %mul3A_2] : memref<26x4096xi32, #tpu.memory_space<hbm>> -> memref<26x128xi32, #tpu.memory_space<hbm>>
      %dma_wait3A_36 = arith.constant 0 : i32
      %dma_wait3A_37 = tpu.memref_slice %arg3[%dma_wait3A_36, %mul3A_2] : memref<26x4096xi32, #tpu.memory_space<hbm>> -> memref<26x128xi32, #tpu.memory_space<hbm>>
      tpu.wait_dma2 semaphore(%run_scoped3A : memref<!tpu.dma_semaphore, #tpu.memory_space<semaphore_mem>>) src(%dma_wait3A_37 : memref<26x128xi32, #tpu.memory_space<hbm>>) dst(%arg5 : memref<26x128xi32, #tpu.memory_space<vmem>>)
      tpu.yield
    }) : () -> ()
    %scan3A = arith.constant 0 : i32
    %scan3A_3 = arith.constant 0 : i32
    %scan3A_4 = arith.constant 208 : i32
    %scan3A_5 = arith.addi %scan3A_3, %scan3A_4 : i32
    %scan3A_6 = arith.constant 1 : i32
    scf.for %scan3A_32 = %scan3A_3 to %scan3A_5 step %scan3A_6  : i32 {
      %jit3A = arith.constant 8 : i32
      %div3A = arith.divsi %scan3A_32, %jit3A : i32
      %sign3A = arith.constant 0 : i32
      %sign3A_33 = arith.cmpi sgt, %scan3A_32, %sign3A : i32
      %sign3A_34 = arith.extui %sign3A_33 : i1 to i32
      %sign3A_35 = arith.constant 0 : i32
      %sign3A_36 = arith.cmpi slt, %scan3A_32, %sign3A_35 : i32
      %sign3A_37 = arith.extui %sign3A_36 : i1 to i32
      %sign3A_38 = arith.subi %sign3A_34, %sign3A_37 : i32
      %sign3A_39 = arith.constant 0 : i32
      %sign3A_40 = arith.cmpi sgt, %jit3A, %sign3A_39 : i32
      %sign3A_41 = arith.extui %sign3A_40 : i1 to i32
      %sign3A_42 = arith.constant 0 : i32
      %sign3A_43 = arith.cmpi slt, %jit3A, %sign3A_42 : i32
      %sign3A_44 = arith.extui %sign3A_43 : i1 to i32
      %sign3A_45 = arith.subi %sign3A_41, %sign3A_44 : i32
      %ne3A = arith.cmpi ne, %sign3A_38, %sign3A_45 : i32
      %rem3A = arith.remsi %scan3A_32, %jit3A : i32
      %ne3A_46 = arith.constant 0 : i32
      %ne3A_47 = arith.cmpi ne, %rem3A, %ne3A_46 : i32
      %and3A = arith.andi %ne3A, %ne3A_47 : i1
      %sub3A = arith.constant 1 : i32
      %sub3A_48 = arith.subi %div3A, %sub3A : i32
      %select_n3A = arith.select %and3A, %sub3A_48, %div3A : i32
      %mul3A_49 = arith.constant 8 : i32
      %mul3A_50 = arith.muli %select_n3A, %mul3A_49 : i32
      %sub3A_51 = arith.subi %scan3A_32, %mul3A_50 : i32
      %mul3A_52 = arith.constant 16 : i32
      %mul3A_53 = arith.muli %sub3A_51, %mul3A_52 : i32
      %get3A = arith.index_cast %select_n3A : i32 to index
      %get3A_54 = arith.index_cast %mul3A_53 : i32 to index
      %get3A_55 = tpu.vector_load %arg5[%get3A, %get3A_54] {strides = array<i32>} : memref<26x128xi32, #tpu.memory_space<vmem>>, vector<1x16xi32>,
      %get3A_56 = vector.shape_cast %get3A_55 : vector<1x16xi32> to vector<16xi32>
      %mul3A_57 = arith.constant 100000 : i32
      %mul3A_58 = arith.muli %select_n3A, %mul3A_57 : i32
      %add3A_59 = vector.broadcast %mul3A_58 : i32 to vector<16xi32>
      %add3A_60 = arith.addi %get3A_56, %add3A_59 : vector<16xi32>
      %swap3A = arith.index_cast %select_n3A : i32 to index
      %swap3A_61 = arith.index_cast %mul3A_53 : i32 to index
      %swap3A_62 = tpu.vector_load %arg6[%swap3A, %swap3A_61] {strides = array<i32>} : memref<26x128xi32, #tpu.memory_space<vmem>>, vector<1x16xi32>,
      %swap3A_63 = vector.shape_cast %swap3A_62 : vector<1x16xi32> to vector<16xi32>
      %swap3A_64 = vector.shape_cast %add3A_60 : vector<16xi32> to vector<1x16xi32>
      tpu.vector_store %arg6[%swap3A, %swap3A_61], %swap3A_64 {strides = array<i32>} : memref<26x128xi32, #tpu.memory_space<vmem>>, vector<1x16xi32>,
    }
    %scan3A_7 = arith.constant 208 : i32
    %scan3A_8 = arith.constant 0 : i32
    %scan3A_9 = arith.constant 0 : i32
    %scan3A_10 = arith.constant 26 : i32
    %scan3A_11 = arith.addi %scan3A_9, %scan3A_10 : i32
    %scan3A_12 = arith.constant 1 : i32
    scf.for %scan3A_32 = %scan3A_9 to %scan3A_11 step %scan3A_12  : i32 {
      %mul3A_33 = arith.constant 128 : i32
      %mul3A_34 = arith.muli %scan3A_32, %mul3A_33 : i32
      %dma_start3A = arith.constant 0 : i32
      %dma_start3A_35 = tpu.memref_slice %arg7[%mul3A_34, %dma_start3A] : memref<3328x32xf32, #tpu.memory_space<vmem>> -> memref<128x32xf32, #tpu.memory_space<vmem>>
      %dma_start3A_36 = arith.constant 0 : i32
      %dma_start3A_37 = tpu.memref_slice %arg6[%scan3A_32, %dma_start3A_36] : memref<26x128xi32, #tpu.memory_space<vmem>> -> memref<1x128xi32, #tpu.memory_space<vmem>>
      %dma_start3A_38 = tpu.memref_squeeze %dma_start3A_37 : memref<1x128xi32, #tpu.memory_space<vmem>> -> memref<128xi32, #tpu.memory_space<vmem>>
      %dma_start3A_39 = arith.constant 0 : i32
      %dma_start3A_40 = arith.constant 0 : i32
      %dma_start3A_41 = tpu.memref_slice %arg2[%dma_start3A_39, %dma_start3A_40] : memref<2600000x32xf32, #tpu.memory_space<hbm>> -> memref<2600000x32xf32, #tpu.memory_space<hbm>>
      tpu.enqueue_indirect_dma source(%dma_start3A_41 : memref<2600000x32xf32, #tpu.memory_space<hbm>>) target(%dma_start3A_35 : memref<128x32xf32, #tpu.memory_space<vmem>>) offsets(%dma_start3A_38 : memref<128xi32, #tpu.memory_space<vmem>>) semaphore(%arg8 : memref<!tpu.dma_semaphore, #tpu.memory_space<semaphore_mem>>)
    }
    %scan3A_13 = arith.constant 26 : i32
    %scan3A_14 = arith.constant 0 : i32
    %scan3A_15 = arith.constant 0 : i32
    %scan3A_16 = arith.constant 26 : i32
    %scan3A_17 = arith.addi %scan3A_15, %scan3A_16 : i32
    %scan3A_18 = arith.constant 1 : i32
    scf.for %scan3A_32 = %scan3A_15 to %scan3A_17 step %scan3A_18  : i32 {
      %mul3A_33 = arith.constant 128 : i32
      %mul3A_34 = arith.muli %scan3A_32, %mul3A_33 : i32
      %dma_wait3A = arith.constant 0 : i32
      %dma_wait3A_35 = tpu.memref_slice %arg7[%mul3A_34, %dma_wait3A] : memref<3328x32xf32, #tpu.memory_space<vmem>> -> memref<128x32xf32, #tpu.memory_space<vmem>>
      %dma_wait3A_36 = arith.constant 0 : i32
      %dma_wait3A_37 = tpu.memref_slice %arg6[%scan3A_32, %dma_wait3A_36] : memref<26x128xi32, #tpu.memory_space<vmem>> -> memref<1x128xi32, #tpu.memory_space<vmem>>
      %dma_wait3A_38 = tpu.memref_squeeze %dma_wait3A_37 : memref<1x128xi32, #tpu.memory_space<vmem>> -> memref<128xi32, #tpu.memory_space<vmem>>
      %dma_wait3A_39 = arith.constant 0 : i32
      %dma_wait3A_40 = arith.constant 0 : i32
      %dma_wait3A_41 = tpu.memref_slice %arg2[%dma_wait3A_39, %dma_wait3A_40] : memref<2600000x32xf32, #tpu.memory_space<hbm>> -> memref<2600000x32xf32, #tpu.memory_space<hbm>>
      tpu.wait_indirect_dma semaphore(%arg8 : memref<!tpu.dma_semaphore, #tpu.memory_space<semaphore_mem>>) src(%dma_wait3A_41 : memref<2600000x32xf32, #tpu.memory_space<hbm>>) dst(%dma_wait3A_35 : memref<128x32xf32, #tpu.memory_space<vmem>>)
    }
    %scan3A_19 = arith.constant 26 : i32
    %scan3A_20 = arith.constant 0 : i32
    %scan3A_21 = arith.constant 0 : i32
    %scan3A_22 = arith.constant 26 : i32
    %scan3A_23 = arith.addi %scan3A_21, %scan3A_22 : i32
    %scan3A_24 = arith.constant 1 : i32
    scf.for %scan3A_32 = %scan3A_21 to %scan3A_23 step %scan3A_24  : i32 {
      %mul3A_33 = arith.constant 128 : i32
      %mul3A_34 = arith.muli %scan3A_32, %mul3A_33 : i32
      %mul3A_35 = arith.constant 32 : i32
      %mul3A_36 = arith.muli %scan3A_32, %mul3A_35 : i32
      %dma_start3A = arith.constant 0 : i32
      %dma_start3A_37 = tpu.memref_slice %arg7[%mul3A_34, %dma_start3A] : memref<3328x32xf32, #tpu.memory_space<vmem>> -> memref<128x32xf32, #tpu.memory_space<vmem>>
      %dma_start3A_38 = tpu.memref_slice %arg4[%mul3A_2, %mul3A_36] : memref<4096x832xf32, #tpu.memory_space<hbm>> -> memref<128x32xf32, #tpu.memory_space<hbm>>
      %dma_start3A_39 = tpu.memref_slice %arg4[%mul3A_2, %mul3A_36] : memref<4096x832xf32, #tpu.memory_space<hbm>> -> memref<128x32xf32, #tpu.memory_space<hbm>>
      %dma_start3A_40 = arith.constant 0 : i32
      %dma_start3A_41 = tpu.memref_slice %arg7[%mul3A_34, %dma_start3A_40] : memref<3328x32xf32, #tpu.memory_space<vmem>> -> memref<128x32xf32, #tpu.memory_space<vmem>>
      tpu.enqueue_dma source(%dma_start3A_41 : memref<128x32xf32, #tpu.memory_space<vmem>>) target(%dma_start3A_39 : memref<128x32xf32, #tpu.memory_space<hbm>>) target_semaphore(%arg9 : memref<!tpu.dma_semaphore, #tpu.memory_space<semaphore_mem>>)
    }
    %scan3A_25 = arith.constant 26 : i32
    %scan3A_26 = arith.constant 0 : i32
    %scan3A_27 = arith.constant 0 : i32
    %scan3A_28 = arith.constant 26 : i32
    %scan3A_29 = arith.addi %scan3A_27, %scan3A_28 : i32
    %scan3A_30 = arith.constant 1 : i32
    scf.for %scan3A_32 = %scan3A_27 to %scan3A_29 step %scan3A_30  : i32 {
      %mul3A_33 = arith.constant 128 : i32
      %mul3A_34 = arith.muli %scan3A_32, %mul3A_33 : i32
      %mul3A_35 = arith.constant 32 : i32
      %mul3A_36 = arith.muli %scan3A_32, %mul3A_35 : i32
      %dma_wait3A = arith.constant 0 : i32
      %dma_wait3A_37 = tpu.memref_slice %arg7[%mul3A_34, %dma_wait3A] : memref<3328x32xf32, #tpu.memory_space<vmem>> -> memref<128x32xf32, #tpu.memory_space<vmem>>
      %dma_wait3A_38 = tpu.memref_slice %arg4[%mul3A_2, %mul3A_36] : memref<4096x832xf32, #tpu.memory_space<hbm>> -> memref<128x32xf32, #tpu.memory_space<hbm>>
      %dma_wait3A_39 = tpu.memref_slice %arg4[%mul3A_2, %mul3A_36] : memref<4096x832xf32, #tpu.memory_space<hbm>> -> memref<128x32xf32, #tpu.memory_space<hbm>>
      %dma_wait3A_40 = arith.constant 0 : i32
      %dma_wait3A_41 = tpu.memref_slice %arg7[%mul3A_34, %dma_wait3A_40] : memref<3328x32xf32, #tpu.memory_space<vmem>> -> memref<128x32xf32, #tpu.memory_space<vmem>>
      tpu.wait_dma2 semaphore(%arg9 : memref<!tpu.dma_semaphore, #tpu.memory_space<semaphore_mem>>) src(%dma_wait3A_41 : memref<128x32xf32, #tpu.memory_space<vmem>>) dst(%dma_wait3A_39 : memref<128x32xf32, #tpu.memory_space<hbm>>)
    }
    %scan3A_31 = arith.constant 26 : i32
    return
  }
}

module attributes {stable_mosaic.version = 14 : i64} {
  func.func @_mlp_body(%arg0: i32, %arg1: memref<512x832xf32, #tpu.memory_space<vmem>>, %arg2: memref<832x128xf32, #tpu.memory_space<vmem>>, %arg3: memref<1x128xf32, #tpu.memory_space<vmem>>, %arg4: memref<128x32xf32, #tpu.memory_space<vmem>>, %arg5: memref<1x32xf32, #tpu.memory_space<vmem>>, %arg6: memref<512x32xf32, #tpu.memory_space<vmem>>) attributes {dimension_semantics = [#tpu.dimension_semantics<arbitrary>], iteration_bounds = array<i64: 8>, scalar_prefetch = 0 : i64, scratch_operands = 0 : i64, tpu.core_type = #tpu.core_type<tc>, window_params = [{transform_indices = @transform_0, window_bounds = array<i64: 512, 832>}, {pipeline_mode = #tpu.pipeline_mode<synchronous>, transform_indices = @transform_1, window_bounds = array<i64: 832, 128>}, {pipeline_mode = #tpu.pipeline_mode<synchronous>, transform_indices = @transform_2, window_bounds = array<i64: 1, 128>}, {pipeline_mode = #tpu.pipeline_mode<synchronous>, transform_indices = @transform_3, window_bounds = array<i64: 128, 32>}, {pipeline_mode = #tpu.pipeline_mode<synchronous>, transform_indices = @transform_4, window_bounds = array<i64: 1, 32>}, {transform_indices = @transform_5, window_bounds = array<i64: 512, 32>}]} {
    %get3A = arith.constant 0 : index
    %get3A_0 = arith.constant 0 : index
    %get3A_1 = vector.load %arg1[%get3A, %get3A_0] : memref<512x832xf32, #tpu.memory_space<vmem>>, vector<512x832xf32>
    %get3A_2 = arith.constant 0 : index
    %get3A_3 = arith.constant 0 : index
    %get3A_4 = vector.load %arg2[%get3A_2, %get3A_3] : memref<832x128xf32, #tpu.memory_space<vmem>>, vector<832x128xf32>
    %dot_general3A = arith.constant dense<0.000000e+00> : vector<512x128xf32>
    %dot_general3A_5 = tpu.matmul %get3A_1, %get3A_4, %dot_general3A {dimension_numbers = #tpu.dot_dimension_numbers<[1], [0], [0], [1], [0, 0, 1, 1], [], []>, transpose_lhs_hint = false} : vector<512x832xf32>, vector<832x128xf32>, vector<512x128xf32> -> vector<512x128xf32>
    %get3A_6 = arith.constant 0 : index
    %get3A_7 = arith.constant 0 : index
    %get3A_8 = vector.load %arg3[%get3A_6, %get3A_7] : memref<1x128xf32, #tpu.memory_space<vmem>>, vector<1x128xf32>
    %add3A = vector.broadcast %get3A_8 : vector<1x128xf32> to vector<512x128xf32>
    %add3A_9 = arith.addf %dot_general3A_5, %add3A : vector<512x128xf32>
    %max3A = arith.constant 0.000000e+00 : f32
    %max3A_10 = vector.broadcast %max3A : f32 to vector<512x128xf32>
    %max3A_11 = arith.maximumf %add3A_9, %max3A_10 : vector<512x128xf32>
    %get3A_12 = arith.constant 0 : index
    %get3A_13 = arith.constant 0 : index
    %get3A_14 = vector.load %arg4[%get3A_12, %get3A_13] : memref<128x32xf32, #tpu.memory_space<vmem>>, vector<128x32xf32>
    %dot_general3A_15 = arith.constant dense<0.000000e+00> : vector<512x32xf32>
    %dot_general3A_16 = tpu.matmul %max3A_11, %get3A_14, %dot_general3A_15 {dimension_numbers = #tpu.dot_dimension_numbers<[1], [0], [0], [1], [0, 0, 1, 1], [], []>, transpose_lhs_hint = false} : vector<512x128xf32>, vector<128x32xf32>, vector<512x32xf32> -> vector<512x32xf32>
    %get3A_17 = arith.constant 0 : index
    %get3A_18 = arith.constant 0 : index
    %get3A_19 = vector.load %arg5[%get3A_17, %get3A_18] : memref<1x32xf32, #tpu.memory_space<vmem>>, vector<1x32xf32>
    %add3A_20 = vector.broadcast %get3A_19 : vector<1x32xf32> to vector<512x32xf32>
    %add3A_21 = arith.addf %dot_general3A_16, %add3A_20 : vector<512x32xf32>
    %swap3A = arith.constant 0 : index
    %swap3A_22 = arith.constant 0 : index
    %swap3A_23 = vector.load %arg6[%swap3A, %swap3A_22] : memref<512x32xf32, #tpu.memory_space<vmem>>, vector<512x32xf32>
    tpu.vector_store %arg6[%swap3A, %swap3A_22], %add3A_21 {strides = array<i32>} : memref<512x32xf32, #tpu.memory_space<vmem>>, vector<512x32xf32>,
    return
  }
  func.func @transform_0(%arg0: i32) -> (i32, i32) {
    %c0_i32 = arith.constant 0 : i32
    %c0_i32_0 = arith.constant 0 : i32
    return %arg0, %c0_i32 : i32, i32
  }
  func.func @transform_1(%arg0: i32) -> (i32, i32) {
    %c0_i32 = arith.constant 0 : i32
    %c0_i32_0 = arith.constant 0 : i32
    %c0_i32_1 = arith.constant 0 : i32
    return %c0_i32, %c0_i32_0 : i32, i32
  }
  func.func @transform_2(%arg0: i32) -> (i32, i32) {
    %c0_i32 = arith.constant 0 : i32
    %c0_i32_0 = arith.constant 0 : i32
    %c0_i32_1 = arith.constant 0 : i32
    return %c0_i32, %c0_i32_0 : i32, i32
  }
  func.func @transform_3(%arg0: i32) -> (i32, i32) {
    %c0_i32 = arith.constant 0 : i32
    %c0_i32_0 = arith.constant 0 : i32
    %c0_i32_1 = arith.constant 0 : i32
    return %c0_i32, %c0_i32_0 : i32, i32
  }
  func.func @transform_4(%arg0: i32) -> (i32, i32) {
    %c0_i32 = arith.constant 0 : i32
    %c0_i32_0 = arith.constant 0 : i32
    %c0_i32_1 = arith.constant 0 : i32
    return %c0_i32, %c0_i32_0 : i32, i32
  }
  func.func @transform_5(%arg0: i32) -> (i32, i32) {
    %c0_i32 = arith.constant 0 : i32
    %c0_i32_0 = arith.constant 0 : i32
    return %arg0, %c0_i32 : i32, i32
  }
}

module attributes {stable_mosaic.version = 14 : i64} {
  func.func @_tr_body(%arg0: i32, %arg1: memref<1x32x100000xf32, #tpu.memory_space<vmem>>, %arg2: memref<1x25000x128xf32, #tpu.memory_space<vmem>>, %arg3: memref<4x4096x32xf32, #tpu.memory_space<vmem>>) attributes {dimension_semantics = [#tpu.dimension_semantics<arbitrary>], iteration_bounds = array<i64: 26>, scalar_prefetch = 0 : i64, scratch_operands = 1 : i64, tpu.core_type = #tpu.core_type<tc>, window_params = [{transform_indices = @transform_0, window_bounds = array<i64: 1, 32, 100000>}, {transform_indices = @transform_1, window_bounds = array<i64: 1, 25000, 128>}]} {
    %iota3A = tpu.iota {dimensions = array<i32: 0>} : vector<32x32xi32>
    %iota3A_0 = tpu.iota {dimensions = array<i32: 1>} : vector<32x32xi32>
    %add3A = arith.constant 0 : i32
    %add3A_1 = vector.broadcast %add3A : i32 to vector<32x32xi32>
    %add3A_2 = arith.addi %iota3A, %add3A_1 : vector<32x32xi32>
    %eq3A = arith.cmpi eq, %add3A_2, %iota3A_0 : vector<32x32xi32>
    %convert_element_type3A = arith.extui %eq3A : vector<32x32xi1> to vector<32x32xi32>
    %convert_element_type3A_3 = arith.sitofp %convert_element_type3A : vector<32x32xi32> to vector<32x32xf32>
    %scan3A = arith.constant 0 : i32
    %scan3A_4 = arith.constant 6 : i32
    %scan3A_5 = arith.addi %scan3A, %scan3A_4 : i32
    %scan3A_6 = arith.constant 1 : i32
    scf.for %scan3A_44 = %scan3A to %scan3A_5 step %scan3A_6  : i32 {
      %mul3A = arith.constant 4 : i32
      %mul3A_45 = arith.muli %mul3A, %scan3A_44 : i32
      %add3A_46 = arith.constant 0 : i32
      %add3A_47 = arith.addi %mul3A_45, %add3A_46 : i32
      %mul3A_48 = arith.constant 4096 : i32
      %mul3A_49 = arith.muli %add3A_47, %mul3A_48 : i32
      %get3A_50 = arith.constant 0 : index
      %get3A_51 = arith.constant 0 : index
      %get3A_52 = arith.index_cast %mul3A_49 : i32 to index
      %get3A_53 = vector.load %arg1[%get3A_50, %get3A_51, %get3A_52] : memref<1x32x100000xf32, #tpu.memory_space<vmem>>, vector<1x32x4096xf32>
      %get3A_54 = vector.shape_cast %get3A_53 : vector<1x32x4096xf32> to vector<32x4096xf32>
      %dot_general3A_55 = arith.constant dense<0.000000e+00> : vector<4096x32xf32>
      %dot_general3A_56 = tpu.matmul %get3A_54, %convert_element_type3A_3, %dot_general3A_55 {dimension_numbers = #tpu.dot_dimension_numbers<[0], [0], [1], [1], [0, 1, 1, 1], [], []>, transpose_lhs_hint = false} : vector<32x4096xf32>, vector<32x32xf32>, vector<4096x32xf32> -> vector<4096x32xf32>
      %swap3A_57 = arith.constant 0 : index
      %swap3A_58 = arith.constant 0 : index
      %swap3A_59 = arith.constant 0 : index
      %swap3A_60 = vector.load %arg3[%swap3A_57, %swap3A_58, %swap3A_59] : memref<4x4096x32xf32, #tpu.memory_space<vmem>>, vector<1x4096x32xf32>
      %swap3A_61 = vector.shape_cast %swap3A_60 : vector<1x4096x32xf32> to vector<4096x32xf32>
      %swap3A_62 = vector.shape_cast %dot_general3A_56 : vector<4096x32xf32> to vector<1x4096x32xf32>
      tpu.vector_store %arg3[%swap3A_57, %swap3A_58, %swap3A_59], %swap3A_62 {strides = array<i32>} : memref<4x4096x32xf32, #tpu.memory_space<vmem>>, vector<1x4096x32xf32>,
      %get3A_63 = arith.constant 0 : index
      %get3A_64 = arith.constant 0 : index
      %get3A_65 = arith.constant 0 : index
      %get3A_66 = tpu.strided_load %arg3[%get3A_63, %get3A_64, %get3A_65] {strides = array<i32: 1, 4, 1>} : memref<4x4096x32xf32, #tpu.memory_space<vmem>>, vector<1x1024x32xf32>
      %get3A_67 = vector.shape_cast %get3A_66 : vector<1x1024x32xf32> to vector<1024x32xf32>
      %get3A_68 = arith.constant 0 : index
      %get3A_69 = arith.constant 1 : index
      %get3A_70 = arith.constant 0 : index
      %get3A_71 = tpu.strided_load %arg3[%get3A_68, %get3A_69, %get3A_70] {strides = array<i32: 1, 4, 1>} : memref<4x4096x32xf32, #tpu.memory_space<vmem>>, vector<1x1024x32xf32>
      %get3A_72 = vector.shape_cast %get3A_71 : vector<1x1024x32xf32> to vector<1024x32xf32>
      %get3A_73 = arith.constant 0 : index
      %get3A_74 = arith.constant 2 : index
      %get3A_75 = arith.constant 0 : index
      %get3A_76 = tpu.strided_load %arg3[%get3A_73, %get3A_74, %get3A_75] {strides = array<i32: 1, 4, 1>} : memref<4x4096x32xf32, #tpu.memory_space<vmem>>, vector<1x1024x32xf32>
      %get3A_77 = vector.shape_cast %get3A_76 : vector<1x1024x32xf32> to vector<1024x32xf32>
      %get3A_78 = arith.constant 0 : index
      %get3A_79 = arith.constant 3 : index
      %get3A_80 = arith.constant 0 : index
      %get3A_81 = tpu.strided_load %arg3[%get3A_78, %get3A_79, %get3A_80] {strides = array<i32: 1, 4, 1>} : memref<4x4096x32xf32, #tpu.memory_space<vmem>>, vector<1x1024x32xf32>
      %get3A_82 = vector.shape_cast %get3A_81 : vector<1x1024x32xf32> to vector<1024x32xf32>
      %concatenate3A_83 = tpu.concatenate %get3A_67, %get3A_72, %get3A_77, %get3A_82 in 1 : vector<1024x32xf32>, vector<1024x32xf32>, vector<1024x32xf32>, vector<1024x32xf32> -> vector<1024x128xf32>
      %mul3A_84 = arith.constant 1024 : i32
      %mul3A_85 = arith.muli %add3A_47, %mul3A_84 : i32
      %swap3A_86 = arith.constant 0 : index
      %swap3A_87 = arith.index_cast %mul3A_85 : i32 to index
      %swap3A_88 = arith.constant 0 : index
      %swap3A_89 = vector.load %arg2[%swap3A_86, %swap3A_87, %swap3A_88] : memref<1x25000x128xf32, #tpu.memory_space<vmem>>, vector<1x1024x128xf32>
      %swap3A_90 = vector.shape_cast %swap3A_89 : vector<1x1024x128xf32> to vector<1024x128xf32>
      %swap3A_91 = vector.shape_cast %concatenate3A_83 : vector<1024x128xf32> to vector<1x1024x128xf32>
      tpu.vector_store %arg2[%swap3A_86, %swap3A_87, %swap3A_88], %swap3A_91 {strides = array<i32>} : memref<1x25000x128xf32, #tpu.memory_space<vmem>>, vector<1x1024x128xf32>,
      %mul3A_92 = arith.constant 4 : i32
      %mul3A_93 = arith.muli %mul3A_92, %scan3A_44 : i32
      %add3A_94 = arith.constant 1 : i32
      %add3A_95 = arith.addi %mul3A_93, %add3A_94 : i32
      %mul3A_96 = arith.constant 4096 : i32
      %mul3A_97 = arith.muli %add3A_95, %mul3A_96 : i32
      %get3A_98 = arith.constant 0 : index
      %get3A_99 = arith.constant 0 : index
      %get3A_100 = arith.index_cast %mul3A_97 : i32 to index
      %get3A_101 = vector.load %arg1[%get3A_98, %get3A_99, %get3A_100] : memref<1x32x100000xf32, #tpu.memory_space<vmem>>, vector<1x32x4096xf32>
      %get3A_102 = vector.shape_cast %get3A_101 : vector<1x32x4096xf32> to vector<32x4096xf32>
      %dot_general3A_103 = arith.constant dense<0.000000e+00> : vector<4096x32xf32>
      %dot_general3A_104 = tpu.matmul %get3A_102, %convert_element_type3A_3, %dot_general3A_103 {dimension_numbers = #tpu.dot_dimension_numbers<[0], [0], [1], [1], [0, 1, 1, 1], [], []>, transpose_lhs_hint = false} : vector<32x4096xf32>, vector<32x32xf32>, vector<4096x32xf32> -> vector<4096x32xf32>
      %swap3A_105 = arith.constant 1 : index
      %swap3A_106 = arith.constant 0 : index
      %swap3A_107 = arith.constant 0 : index
      %swap3A_108 = vector.load %arg3[%swap3A_105, %swap3A_106, %swap3A_107] : memref<4x4096x32xf32, #tpu.memory_space<vmem>>, vector<1x4096x32xf32>
      %swap3A_109 = vector.shape_cast %swap3A_108 : vector<1x4096x32xf32> to vector<4096x32xf32>
      %swap3A_110 = vector.shape_cast %dot_general3A_104 : vector<4096x32xf32> to vector<1x4096x32xf32>
      tpu.vector_store %arg3[%swap3A_105, %swap3A_106, %swap3A_107], %swap3A_110 {strides = array<i32>} : memref<4x4096x32xf32, #tpu.memory_space<vmem>>, vector<1x4096x32xf32>,
      %get3A_111 = arith.constant 1 : index
      %get3A_112 = arith.constant 0 : index
      %get3A_113 = arith.constant 0 : index
      %get3A_114 = tpu.strided_load %arg3[%get3A_111, %get3A_112, %get3A_113] {strides = array<i32: 1, 4, 1>} : memref<4x4096x32xf32, #tpu.memory_space<vmem>>, vector<1x1024x32xf32>
      %get3A_115 = vector.shape_cast %get3A_114 : vector<1x1024x32xf32> to vector<1024x32xf32>
      %get3A_116 = arith.constant 1 : index
      %get3A_117 = arith.constant 1 : index
      %get3A_118 = arith.constant 0 : index
      %get3A_119 = tpu.strided_load %arg3[%get3A_116, %get3A_117, %get3A_118] {strides = array<i32: 1, 4, 1>} : memref<4x4096x32xf32, #tpu.memory_space<vmem>>, vector<1x1024x32xf32>
      %get3A_120 = vector.shape_cast %get3A_119 : vector<1x1024x32xf32> to vector<1024x32xf32>
      %get3A_121 = arith.constant 1 : index
      %get3A_122 = arith.constant 2 : index
      %get3A_123 = arith.constant 0 : index
      %get3A_124 = tpu.strided_load %arg3[%get3A_121, %get3A_122, %get3A_123] {strides = array<i32: 1, 4, 1>} : memref<4x4096x32xf32, #tpu.memory_space<vmem>>, vector<1x1024x32xf32>
      %get3A_125 = vector.shape_cast %get3A_124 : vector<1x1024x32xf32> to vector<1024x32xf32>
      %get3A_126 = arith.constant 1 : index
      %get3A_127 = arith.constant 3 : index
      %get3A_128 = arith.constant 0 : index
      %get3A_129 = tpu.strided_load %arg3[%get3A_126, %get3A_127, %get3A_128] {strides = array<i32: 1, 4, 1>} : memref<4x4096x32xf32, #tpu.memory_space<vmem>>, vector<1x1024x32xf32>
      %get3A_130 = vector.shape_cast %get3A_129 : vector<1x1024x32xf32> to vector<1024x32xf32>
      %concatenate3A_131 = tpu.concatenate %get3A_115, %get3A_120, %get3A_125, %get3A_130 in 1 : vector<1024x32xf32>, vector<1024x32xf32>, vector<1024x32xf32>, vector<1024x32xf32> -> vector<1024x128xf32>
      %mul3A_132 = arith.constant 1024 : i32
      %mul3A_133 = arith.muli %add3A_95, %mul3A_132 : i32
      %swap3A_134 = arith.constant 0 : index
      %swap3A_135 = arith.index_cast %mul3A_133 : i32 to index
      %swap3A_136 = arith.constant 0 : index
      %swap3A_137 = vector.load %arg2[%swap3A_134, %swap3A_135, %swap3A_136] : memref<1x25000x128xf32, #tpu.memory_space<vmem>>, vector<1x1024x128xf32>
      %swap3A_138 = vector.shape_cast %swap3A_137 : vector<1x1024x128xf32> to vector<1024x128xf32>
      %swap3A_139 = vector.shape_cast %concatenate3A_131 : vector<1024x128xf32> to vector<1x1024x128xf32>
      tpu.vector_store %arg2[%swap3A_134, %swap3A_135, %swap3A_136], %swap3A_139 {strides = array<i32>} : memref<1x25000x128xf32, #tpu.memory_space<vmem>>, vector<1x1024x128xf32>,
      %mul3A_140 = arith.constant 4 : i32
      %mul3A_141 = arith.muli %mul3A_140, %scan3A_44 : i32
      %add3A_142 = arith.constant 2 : i32
      %add3A_143 = arith.addi %mul3A_141, %add3A_142 : i32
      %mul3A_144 = arith.constant 4096 : i32
      %mul3A_145 = arith.muli %add3A_143, %mul3A_144 : i32
      %get3A_146 = arith.constant 0 : index
      %get3A_147 = arith.constant 0 : index
      %get3A_148 = arith.index_cast %mul3A_145 : i32 to index
      %get3A_149 = vector.load %arg1[%get3A_146, %get3A_147, %get3A_148] : memref<1x32x100000xf32, #tpu.memory_space<vmem>>, vector<1x32x4096xf32>
      %get3A_150 = vector.shape_cast %get3A_149 : vector<1x32x4096xf32> to vector<32x4096xf32>
      %dot_general3A_151 = arith.constant dense<0.000000e+00> : vector<4096x32xf32>
      %dot_general3A_152 = tpu.matmul %get3A_150, %convert_element_type3A_3, %dot_general3A_151 {dimension_numbers = #tpu.dot_dimension_numbers<[0], [0], [1], [1], [0, 1, 1, 1], [], []>, transpose_lhs_hint = false} : vector<32x4096xf32>, vector<32x32xf32>, vector<4096x32xf32> -> vector<4096x32xf32>
      %swap3A_153 = arith.constant 2 : index
      %swap3A_154 = arith.constant 0 : index
      %swap3A_155 = arith.constant 0 : index
      %swap3A_156 = vector.load %arg3[%swap3A_153, %swap3A_154, %swap3A_155] : memref<4x4096x32xf32, #tpu.memory_space<vmem>>, vector<1x4096x32xf32>
      %swap3A_157 = vector.shape_cast %swap3A_156 : vector<1x4096x32xf32> to vector<4096x32xf32>
      %swap3A_158 = vector.shape_cast %dot_general3A_152 : vector<4096x32xf32> to vector<1x4096x32xf32>
      tpu.vector_store %arg3[%swap3A_153, %swap3A_154, %swap3A_155], %swap3A_158 {strides = array<i32>} : memref<4x4096x32xf32, #tpu.memory_space<vmem>>, vector<1x4096x32xf32>,
      %get3A_159 = arith.constant 2 : index
      %get3A_160 = arith.constant 0 : index
      %get3A_161 = arith.constant 0 : index
      %get3A_162 = tpu.strided_load %arg3[%get3A_159, %get3A_160, %get3A_161] {strides = array<i32: 1, 4, 1>} : memref<4x4096x32xf32, #tpu.memory_space<vmem>>, vector<1x1024x32xf32>
      %get3A_163 = vector.shape_cast %get3A_162 : vector<1x1024x32xf32> to vector<1024x32xf32>
      %get3A_164 = arith.constant 2 : index
      %get3A_165 = arith.constant 1 : index
      %get3A_166 = arith.constant 0 : index
      %get3A_167 = tpu.strided_load %arg3[%get3A_164, %get3A_165, %get3A_166] {strides = array<i32: 1, 4, 1>} : memref<4x4096x32xf32, #tpu.memory_space<vmem>>, vector<1x1024x32xf32>
      %get3A_168 = vector.shape_cast %get3A_167 : vector<1x1024x32xf32> to vector<1024x32xf32>
      %get3A_169 = arith.constant 2 : index
      %get3A_170 = arith.constant 2 : index
      %get3A_171 = arith.constant 0 : index
      %get3A_172 = tpu.strided_load %arg3[%get3A_169, %get3A_170, %get3A_171] {strides = array<i32: 1, 4, 1>} : memref<4x4096x32xf32, #tpu.memory_space<vmem>>, vector<1x1024x32xf32>
      %get3A_173 = vector.shape_cast %get3A_172 : vector<1x1024x32xf32> to vector<1024x32xf32>
      %get3A_174 = arith.constant 2 : index
      %get3A_175 = arith.constant 3 : index
      %get3A_176 = arith.constant 0 : index
      %get3A_177 = tpu.strided_load %arg3[%get3A_174, %get3A_175, %get3A_176] {strides = array<i32: 1, 4, 1>} : memref<4x4096x32xf32, #tpu.memory_space<vmem>>, vector<1x1024x32xf32>
      %get3A_178 = vector.shape_cast %get3A_177 : vector<1x1024x32xf32> to vector<1024x32xf32>
      %concatenate3A_179 = tpu.concatenate %get3A_163, %get3A_168, %get3A_173, %get3A_178 in 1 : vector<1024x32xf32>, vector<1024x32xf32>, vector<1024x32xf32>, vector<1024x32xf32> -> vector<1024x128xf32>
      %mul3A_180 = arith.constant 1024 : i32
      %mul3A_181 = arith.muli %add3A_143, %mul3A_180 : i32
      %swap3A_182 = arith.constant 0 : index
      %swap3A_183 = arith.index_cast %mul3A_181 : i32 to index
      %swap3A_184 = arith.constant 0 : index
      %swap3A_185 = vector.load %arg2[%swap3A_182, %swap3A_183, %swap3A_184] : memref<1x25000x128xf32, #tpu.memory_space<vmem>>, vector<1x1024x128xf32>
      %swap3A_186 = vector.shape_cast %swap3A_185 : vector<1x1024x128xf32> to vector<1024x128xf32>
      %swap3A_187 = vector.shape_cast %concatenate3A_179 : vector<1024x128xf32> to vector<1x1024x128xf32>
      tpu.vector_store %arg2[%swap3A_182, %swap3A_183, %swap3A_184], %swap3A_187 {strides = array<i32>} : memref<1x25000x128xf32, #tpu.memory_space<vmem>>, vector<1x1024x128xf32>,
      %mul3A_188 = arith.constant 4 : i32
      %mul3A_189 = arith.muli %mul3A_188, %scan3A_44 : i32
      %add3A_190 = arith.constant 3 : i32
      %add3A_191 = arith.addi %mul3A_189, %add3A_190 : i32
      %mul3A_192 = arith.constant 4096 : i32
      %mul3A_193 = arith.muli %add3A_191, %mul3A_192 : i32
      %get3A_194 = arith.constant 0 : index
      %get3A_195 = arith.constant 0 : index
      %get3A_196 = arith.index_cast %mul3A_193 : i32 to index
      %get3A_197 = vector.load %arg1[%get3A_194, %get3A_195, %get3A_196] : memref<1x32x100000xf32, #tpu.memory_space<vmem>>, vector<1x32x4096xf32>
      %get3A_198 = vector.shape_cast %get3A_197 : vector<1x32x4096xf32> to vector<32x4096xf32>
      %dot_general3A_199 = arith.constant dense<0.000000e+00> : vector<4096x32xf32>
      %dot_general3A_200 = tpu.matmul %get3A_198, %convert_element_type3A_3, %dot_general3A_199 {dimension_numbers = #tpu.dot_dimension_numbers<[0], [0], [1], [1], [0, 1, 1, 1], [], []>, transpose_lhs_hint = false} : vector<32x4096xf32>, vector<32x32xf32>, vector<4096x32xf32> -> vector<4096x32xf32>
      %swap3A_201 = arith.constant 3 : index
      %swap3A_202 = arith.constant 0 : index
      %swap3A_203 = arith.constant 0 : index
      %swap3A_204 = vector.load %arg3[%swap3A_201, %swap3A_202, %swap3A_203] : memref<4x4096x32xf32, #tpu.memory_space<vmem>>, vector<1x4096x32xf32>
      %swap3A_205 = vector.shape_cast %swap3A_204 : vector<1x4096x32xf32> to vector<4096x32xf32>
      %swap3A_206 = vector.shape_cast %dot_general3A_200 : vector<4096x32xf32> to vector<1x4096x32xf32>
      tpu.vector_store %arg3[%swap3A_201, %swap3A_202, %swap3A_203], %swap3A_206 {strides = array<i32>} : memref<4x4096x32xf32, #tpu.memory_space<vmem>>, vector<1x4096x32xf32>,
      %get3A_207 = arith.constant 3 : index
      %get3A_208 = arith.constant 0 : index
      %get3A_209 = arith.constant 0 : index
      %get3A_210 = tpu.strided_load %arg3[%get3A_207, %get3A_208, %get3A_209] {strides = array<i32: 1, 4, 1>} : memref<4x4096x32xf32, #tpu.memory_space<vmem>>, vector<1x1024x32xf32>
      %get3A_211 = vector.shape_cast %get3A_210 : vector<1x1024x32xf32> to vector<1024x32xf32>
      %get3A_212 = arith.constant 3 : index
      %get3A_213 = arith.constant 1 : index
      %get3A_214 = arith.constant 0 : index
      %get3A_215 = tpu.strided_load %arg3[%get3A_212, %get3A_213, %get3A_214] {strides = array<i32: 1, 4, 1>} : memref<4x4096x32xf32, #tpu.memory_space<vmem>>, vector<1x1024x32xf32>
      %get3A_216 = vector.shape_cast %get3A_215 : vector<1x1024x32xf32> to vector<1024x32xf32>
      %get3A_217 = arith.constant 3 : index
      %get3A_218 = arith.constant 2 : index
      %get3A_219 = arith.constant 0 : index
      %get3A_220 = tpu.strided_load %arg3[%get3A_217, %get3A_218, %get3A_219] {strides = array<i32: 1, 4, 1>} : memref<4x4096x32xf32, #tpu.memory_space<vmem>>, vector<1x1024x32xf32>
      %get3A_221 = vector.shape_cast %get3A_220 : vector<1x1024x32xf32> to vector<1024x32xf32>
      %get3A_222 = arith.constant 3 : index
      %get3A_223 = arith.constant 3 : index
      %get3A_224 = arith.constant 0 : index
      %get3A_225 = tpu.strided_load %arg3[%get3A_222, %get3A_223, %get3A_224] {strides = array<i32: 1, 4, 1>} : memref<4x4096x32xf32, #tpu.memory_space<vmem>>, vector<1x1024x32xf32>
      %get3A_226 = vector.shape_cast %get3A_225 : vector<1x1024x32xf32> to vector<1024x32xf32>
      %concatenate3A_227 = tpu.concatenate %get3A_211, %get3A_216, %get3A_221, %get3A_226 in 1 : vector<1024x32xf32>, vector<1024x32xf32>, vector<1024x32xf32>, vector<1024x32xf32> -> vector<1024x128xf32>
      %mul3A_228 = arith.constant 1024 : i32
      %mul3A_229 = arith.muli %add3A_191, %mul3A_228 : i32
      %swap3A_230 = arith.constant 0 : index
      %swap3A_231 = arith.index_cast %mul3A_229 : i32 to index
      %swap3A_232 = arith.constant 0 : index
      %swap3A_233 = vector.load %arg2[%swap3A_230, %swap3A_231, %swap3A_232] : memref<1x25000x128xf32, #tpu.memory_space<vmem>>, vector<1x1024x128xf32>
      %swap3A_234 = vector.shape_cast %swap3A_233 : vector<1x1024x128xf32> to vector<1024x128xf32>
      %swap3A_235 = vector.shape_cast %concatenate3A_227 : vector<1024x128xf32> to vector<1x1024x128xf32>
      tpu.vector_store %arg2[%swap3A_230, %swap3A_231, %swap3A_232], %swap3A_235 {strides = array<i32>} : memref<1x25000x128xf32, #tpu.memory_space<vmem>>, vector<1x1024x128xf32>,
    }
    %scan3A_7 = arith.constant 6 : i32
    %get3A = arith.constant 0 : index
    %get3A_8 = arith.constant 0 : index
    %get3A_9 = arith.constant 98304 : index
    %get3A_10 = vector.load %arg1[%get3A, %get3A_8, %get3A_9] : memref<1x32x100000xf32, #tpu.memory_space<vmem>>, vector<1x32x1696xf32>
    %get3A_11 = vector.shape_cast %get3A_10 : vector<1x32x1696xf32> to vector<32x1696xf32>
    %dot_general3A = arith.constant dense<0.000000e+00> : vector<1696x32xf32>
    %dot_general3A_12 = tpu.matmul %get3A_11, %convert_element_type3A_3, %dot_general3A {dimension_numbers = #tpu.dot_dimension_numbers<[0], [0], [1], [1], [0, 1, 1, 1], [], []>, transpose_lhs_hint = false} : vector<32x1696xf32>, vector<32x32xf32>, vector<1696x32xf32> -> vector<1696x32xf32>
    %swap3A = arith.constant 0 : index
    %swap3A_13 = arith.constant 0 : index
    %swap3A_14 = arith.constant 0 : index
    %swap3A_15 = vector.load %arg3[%swap3A, %swap3A_13, %swap3A_14] : memref<4x4096x32xf32, #tpu.memory_space<vmem>>, vector<1x1696x32xf32>
    %swap3A_16 = vector.shape_cast %swap3A_15 : vector<1x1696x32xf32> to vector<1696x32xf32>
    %swap3A_17 = vector.shape_cast %dot_general3A_12 : vector<1696x32xf32> to vector<1x1696x32xf32>
    tpu.vector_store %arg3[%swap3A, %swap3A_13, %swap3A_14], %swap3A_17 {strides = array<i32>} : memref<4x4096x32xf32, #tpu.memory_space<vmem>>, vector<1x1696x32xf32>,
    %get3A_18 = arith.constant 0 : index
    %get3A_19 = arith.constant 0 : index
    %get3A_20 = arith.constant 0 : index
    %get3A_21 = tpu.strided_load %arg3[%get3A_18, %get3A_19, %get3A_20] {strides = array<i32: 1, 4, 1>} : memref<4x4096x32xf32, #tpu.memory_space<vmem>>, vector<1x424x32xf32>
    %get3A_22 = vector.shape_cast %get3A_21 : vector<1x424x32xf32> to vector<424x32xf32>
    %get3A_23 = arith.constant 0 : index
    %get3A_24 = arith.constant 1 : index
    %get3A_25 = arith.constant 0 : index
    %get3A_26 = tpu.strided_load %arg3[%get3A_23, %get3A_24, %get3A_25] {strides = array<i32: 1, 4, 1>} : memref<4x4096x32xf32, #tpu.memory_space<vmem>>, vector<1x424x32xf32>
    %get3A_27 = vector.shape_cast %get3A_26 : vector<1x424x32xf32> to vector<424x32xf32>
    %get3A_28 = arith.constant 0 : index
    %get3A_29 = arith.constant 2 : index
    %get3A_30 = arith.constant 0 : index
    %get3A_31 = tpu.strided_load %arg3[%get3A_28, %get3A_29, %get3A_30] {strides = array<i32: 1, 4, 1>} : memref<4x4096x32xf32, #tpu.memory_space<vmem>>, vector<1x424x32xf32>
    %get3A_32 = vector.shape_cast %get3A_31 : vector<1x424x32xf32> to vector<424x32xf32>
    %get3A_33 = arith.constant 0 : index
    %get3A_34 = arith.constant 3 : index
    %get3A_35 = arith.constant 0 : index
    %get3A_36 = tpu.strided_load %arg3[%get3A_33, %get3A_34, %get3A_35] {strides = array<i32: 1, 4, 1>} : memref<4x4096x32xf32, #tpu.memory_space<vmem>>, vector<1x424x32xf32>
    %get3A_37 = vector.shape_cast %get3A_36 : vector<1x424x32xf32> to vector<424x32xf32>
    %concatenate3A = tpu.concatenate %get3A_22, %get3A_27, %get3A_32, %get3A_37 in 1 : vector<424x32xf32>, vector<424x32xf32>, vector<424x32xf32>, vector<424x32xf32> -> vector<424x128xf32>
    %swap3A_38 = arith.constant 0 : index
    %swap3A_39 = arith.constant 24576 : index
    %swap3A_40 = arith.constant 0 : index
    %swap3A_41 = vector.load %arg2[%swap3A_38, %swap3A_39, %swap3A_40] : memref<1x25000x128xf32, #tpu.memory_space<vmem>>, vector<1x424x128xf32>
    %swap3A_42 = vector.shape_cast %swap3A_41 : vector<1x424x128xf32> to vector<424x128xf32>
    %swap3A_43 = vector.shape_cast %concatenate3A : vector<424x128xf32> to vector<1x424x128xf32>
    tpu.vector_store %arg2[%swap3A_38, %swap3A_39, %swap3A_40], %swap3A_43 {strides = array<i32>} : memref<1x25000x128xf32, #tpu.memory_space<vmem>>, vector<1x424x128xf32>,
    return
  }
  func.func @transform_0(%arg0: i32) -> (i32, i32, i32) {
    %c0_i32 = arith.constant 0 : i32
    %c0_i32_0 = arith.constant 0 : i32
    %c0_i32_1 = arith.constant 0 : i32
    return %arg0, %c0_i32, %c0_i32_0 : i32, i32, i32
  }
  func.func @transform_1(%arg0: i32) -> (i32, i32, i32) {
    %c0_i32 = arith.constant 0 : i32
    %c0_i32_0 = arith.constant 0 : i32
    %c0_i32_1 = arith.constant 0 : i32
    return %arg0, %c0_i32, %c0_i32_0 : i32, i32, i32
  }
}

</mosaic_0001>

<sc_bundles>
// kernel: kernel.5.cloned.1.call-start
scs
__scs_entry_jumppad:
0x0: {  	(pc) =	sbr.rel $0x88, $3  }
0x1: {  	(tag) =	ssettag $0x0;
	lr =	simm.s32 $0x1  }
0x2: {  	[smem:$0x3F9B] =	sst lr;
	_ =	strace $0xD0000000  }
0x3: {  	_ = 	snop  }
0x4: {  	_ = 	snop  }
0x5: {  	_ = 	snop  }
0x6: {  	_ = 	snop  }
0x7: {  	_ = 	snop  }
__scs_overlays_trampoline_lowered:
0x8: {  	[smem:$0x3FAA] =	sst s0  }
0x9: {  	[smem:$0x3FAB] =	sst s1  }
0xa: {  	[smem:$0x3FAC] =	sst s2  }
0xb: {  	[smem:$0x3FAD] =	sst s3  }
0xc: {  	[smem:$0x3FAE] =	sst s4  }
0xd: {  	[smem:$0x3FAF] =	sst s5  }
0xe: {  	[smem:$0x3FB0] =	sst s6  }
0xf: {  	[smem:$0x3FB1] =	sst s7  }
0x10: {  	[smem:$0x3FB2] =	sst s8  }
0x11: {  	[smem:$0x3FB3] =	sst s9;
	s0 =	simm.s32 @!p0 $0x0  }
0x12: {  	s1 =	sld [smem:$0x3F99];
	s0 =	simm.s32 @p0 $0x1  }
0x13: {  	[smem:$0x3FB4] =	sst s0;
	s0 =	simm.s32 @!p1 $0x0  }
0x14: {  	s2 =	sld [smem:$0x3F98];
	s0 =	simm.s32 @p1 $0x1  }
0x15: {  	[smem:$0x3FB5] =	sst s0;
	s0 =	simm.s32 @!p2 $0x0  }
0x16: {  	s3 =	sld [smem:$0x3FDB];
	s0 =	simm.s32 @p2 $0x1  }
0x17: {  	s4 =	simm.s32 $0x1BF5;
	[smem:$0x3FB7] =	sst s0  }
0x18: {  	s0 =	sld [smem:$0x3F9A];
	_ =	swait.ge [sflag:s4], $0x0  }
0x19: {  	s7 =	sld [smem:$0x3F9B]  }
0x1a: {  	s8 =	sadd.s32 $0xFFFFE003, lr  }
0x1b: {  	s9 =	sadd.s32 $0xFFFFFEF7, lr;
	s5 =	simm.s32 $0xFFFFFFFF;
	p2 =	slt.u32 s8, $0xFFFFF086  }
0x1c: {  	p1 =	slt.u32 s9, $0xF7A;
	s5 =	simm.s32 @!p2 $0x0  }
0x1d: {  	s5 =	simm.s32 @p1 $0x1;
	p0 =	seq.s32 s7, s2  }
0x1e: {  	s7 =	smul.u32 @!p0 $0xF7A, s2;
	p2 =	seq.s32 @!p0 s5, $0x0  }
0x1f: {  	s9 =	smul.u32 $0xF7A, s1;
	s8 =	simm.s32 @!p0 $0x1BF5;
	p2 =	por !p2, p0  }
0x20: {  	[sflag:s8] =	ssyncset.s32 @!p0 $0xFFFFF086;
	s6 =	sadd.s32 @!p0 s3, s7;
	s7 =	simm.s32 @!p0 $0x108  }
0x21: {  	s3 =	sadd.s32 s3, s9;
	s6 =	sadd.s32 @!p0 $0x88, s6;
	s7 =	simm.s32 @p2 $0x1082  }
0x22: {  	[simem:s7], [sflag:s8] =	dma.local @!p0 [hbm:s6], $0xF7A  }
0x23: {  	s9 =	sor.u32 $0xD0000000, s2;
	s6 =	simm.s32 $0x108;
	_ =	swait.ge @!p0 [sflag:s8], $0x0  }
0x24: {  	s3 =	sadd.s32 $0x88, s3;
	s6 =	simm.s32 @!p1 $0x1082;
	[sflag:s4] =	ssyncset.s32 $0xFFFFF086  }
0x25: {  	[simem:s6], [sflag:s4] =	dma.local [hbm:s3], $0xF7A  }
0x26: {  	[smem:$0x3F9B] =	sst s1;
	(tag) =	ssettag s2;
	_ =	strace s9  }
0x27: {  	s1 =	sld [smem:$0x3FAB]  }
0x28: {  	s2 =	sld [smem:$0x3FAC]  }
0x29: {  	s4 =	sld [smem:$0x3FAE]  }
0x2a: {  	p0 =	seq.s32 s5, $0x0;
	s5 =	sld [smem:$0x3FAF]  }
0x2b: {  	s6 =	sld [smem:$0x3FB0]  }
0x2c: {  	s7 =	sld [smem:$0x3FB1]  }
0x2d: {  	s3 =	simm.s32 $0x108;
	s8 =	sld [smem:$0x3FB2]  }
0x2e: {  	s3 =	simm.s32 @!p0 $0x1082;
	s9 =	sld [smem:$0x3FB3]  }
0x2f: {  	lr =	sadd.s32 s0, s3;
	s0 =	sld [smem:$0x3FAA]  }
0x30: {  	s3 =	sld [smem:$0x3FAD]  }
0x31: {  	[smem:$0x3FB6] =	sst s10  }
0x32: {  	s10 =	sld [smem:$0x3FB4];
	_ =	sdelay $0x3  }
0x33: {  	p0 =	seq.s32 s10, $0x1;
	s10 =	sld [smem:$0x3FB6];
	_ =	sdelay $0x3  }
0x34: {  	[smem:$0x3FB6] =	sst s10  }
0x35: {  	s10 =	sld [smem:$0x3FB5];
	_ =	sdelay $0x3  }
0x36: {  	p1 =	seq.s32 s10, $0x1;
	s10 =	sld [smem:$0x3FB6];
	_ =	sdelay $0x3  }
0x37: {  	[smem:$0x3FB6] =	sst s10  }
0x38: {  	s10 =	sld [smem:$0x3FB7]  }
0x39: {  	_ = 	snop;
	(pc) =	sbr.ind lr, $3  }
0x3a: {  	_ = 	snop  }
0x3b: {  	_ = 	snop  }
0x3c: {  	p2 =	seq.s32 s10, $0x1;
	s10 =	sld [smem:$0x3FB6]  }
0x3d: {  	_ =	shalt  }
0x3e: {  	_ =	shalt  }
0x3f: {  	_ =	shalt  }
0x40: {  	_ =	shalt  }
0x41: {  	_ =	shalt  }
0x42: {  	_ =	shalt  }
0x43: {  	_ =	shalt  }
0x44: {  	_ =	shalt  }
0x45: {  	_ =	shalt  }
0x46: {  	_ =	shalt  }
0x47: {  	_ =	shalt  }
0x48: {  	_ =	shalt  }
0x49: {  	_ =	shalt  }
0x4a: {  	_ =	shalt  }
0x4b: {  	_ =	shalt  }
0x4c: {  	_ =	shalt  }
0x4d: {  	_ =	shalt  }
0x4e: {  	_ =	shalt  }
0x4f: {  	_ =	shalt  }
0x50: {  	_ =	shalt  }
0x51: {  	_ =	shalt  }
0x52: {  	_ =	shalt  }
0x53: {  	_ =	shalt  }
0x54: {  	_ =	shalt  }
0x55: {  	_ =	shalt  }
0x56: {  	_ =	shalt  }
0x57: {  	_ =	shalt  }
0x58: {  	_ =	shalt  }
0x59: {  	_ =	shalt  }
0x5a: {  	_ =	shalt  }
0x5b: {  	_ =	shalt  }
0x5c: {  	_ =	shalt  }
0x5d: {  	_ =	shalt  }
0x5e: {  	_ =	shalt  }
0x5f: {  	_ =	shalt  }
0x60: {  	_ =	shalt  }
0x61: {  	_ =	shalt  }
0x62: {  	_ =	shalt  }
0x63: {  	_ =	shalt  }
0x64: {  	_ =	shalt  }
0x65: {  	_ =	shalt  }
0x66: {  	_ =	shalt  }
0x67: {  	_ =	shalt  }
0x68: {  	_ =	shalt  }
0x69: {  	_ =	shalt  }
0x6a: {  	_ =	shalt  }
0x6b: {  	_ =	shalt  }
0x6c: {  	_ =	shalt  }
0x6d: {  	_ =	shalt  }
0x6e: {  	_ =	shalt  }
0x6f: {  	_ =	shalt  }
0x70: {  	_ =	shalt  }
0x71: {  	_ =	shalt  }
0x72: {  	_ =	shalt  }
0x73: {  	_ =	shalt  }
0x74: {  	_ =	shalt  }
0x75: {  	_ =	shalt  }
0x76: {  	_ =	shalt  }
0x77: {  	_ =	shalt  }
0x78: {  	_ =	shalt  }
0x79: {  	_ =	shalt  }
0x7a: {  	_ =	shalt  }
0x7b: {  	_ =	shalt  }
0x7c: {  	_ =	shalt  }
0x7d: {  	_ =	shalt  }
0x7e: {  	_ =	shalt  }
0x7f: {  	_ =	shalt  }
0x80: {  	_ =	shalt  }
0x81: {  	_ =	shalt  }
0x82: {  	_ =	shalt  }
0x83: {  	_ =	shalt  }
0x84: {  	_ =	shalt  }
0x85: {  	_ =	shalt  }
0x86: {  	_ =	shalt  }
0x87: {  	_ =	shalt  }
.Lfunc_end0:
.L_simem_size_0:
called_computation_lowered:
.L_overlay_start_0:
0x88: {  	s2 =	sld [smem:$0x3FD9]  }
0x89: {  	s3 =	sld [smem:$0x3FFE];
	_ =	sdelay $0x1  }
0x8a: {  	s1 =	srdreg.scid  }
0x8b: {  	s0 =	sand.u32 $0x1, s1  }
0x8c: {  	s17 =	sshll.u32 s0, $0xA;
	s2 =	sadd.s32 s3, s2  }
0x8d: {  	s2 =	sadd.s32 s2, s17  }
0x8e: {  	[smem:$0x3FC2] =	sst s2  }
0x8f: {  	_ = 	snop  }
0x90: {  	s2 =	sld [smem:$0x3FD0];
	(tm) =	ssettm $0x1  }
0x91: {  	s18 =	sld [smem:$0x3FFB];
	_ =	sdelay $0x3  }
0x92: {  	_ =	strace s18  }
0x93: {  	s3 =	sld [smem:$0x3FFC];
	_ =	sdelay $0x3  }
0x94: {  	_ =	strace s3  }
0x95: {  	s3 =	sld [smem:$0x3FFD];
	_ =	sdelay $0x3  }
0x96: {  	_ =	strace s3  }
0x97: {  	_ =	strace $0x8FFFFFFF  }
0x98: {  	s19 =	sld [smem:$0x3FDB];
	_ =	sdelay $0x1  }
0x99: {  	s4 =	simm.s32 $_scs_section_size  }
0x9a: {  	s5 =	simm.s32 $_size__tile_overlayer_lowered;
	s6 =	simm.s32 $_tile_overlayer_lowered  }
0x9b: {  	s22 =	simm.s32 $0x1BFF;
	s21 =	sshll.u32 s6, $0x1;
	s3 =	sadd.s32 s4, s19  }
0x9c: {  	s7 =	simm.s32 $0x0;
	s20 =	sshll.u32 s5, $0x1;
	s5 =	sadd.s32 s21, s3  }
0x9d: {  	[timem:s7], [sflag:s22] =	dma.local [hbm:s5], s20  }
0x9e: {  	_ =	swait.ge [sflag:s22], s20  }
0x9f: {  	s4 =	ssub.s32 $0x0, s20;
	[sflag:s22] =	ssyncset.done $0x0  }
0xa0: {  	[sflag:s22] =	ssyncadd.s32 s4;
	_ =	sdelay $0x1  }
0xa1: {  	s23 =	simm.s32 $0x1B8B  }
0xa2: {  	_ =	swait.ge [sflag:s23], $0x1  }
0xa3: {  	[sflag:s23] =	ssyncset.done $0x0  }
0xa4: {  	s25 =	simm.s32 $0x1B8E;
	s24 =	sld [smem:$0x3FFE];
	[sflag:s23] =	ssyncadd.s32 $0xFFFFFFFF  }
0xa5: {  	s26 =	simm.s32 $execute0_lowered;
	[smem:$0x3FD2] =	sst s25  }
0xa6: {  	s5 =	sshll.u32 s26, $0x1;
	_ =	strace $0x80000046;
	[dreg:$0x1] =	wrdreg $0xFFFFFFFF  }
0xa7: {  	s28 =	simm.s32 $_size_execute0_lowered;
	s3 =	sadd.s32 s3, s5;
	[dreg:$0x0] =	wrdreg $0x0  }
0xa8: {  	s5 =	sshll.u32 s28, $0x1;
	[dreg:$0x2] =	wrdreg s3  }
0xa9: {  	[dreg:$0x3] =	wrdreg s5  }
0xaa: {  	[dreg:$0x4] =	wrdreg $0xC0  }
0xab: {  	_ =	task [dreg:s7], $0x5FFFF  }
0xac: {  	[dreg:$0x1] =	wrdreg $0xFFFFFFFF  }
0xad: {  	[dreg:$0x0] =	wrdreg $0x60  }
0xae: {  	[dreg:$0x2] =	wrdreg s24  }
0xaf: {  	[dreg:$0x3] =	wrdreg s2  }
0xb0: {  	[dreg:$0x4] =	wrdreg $0x9  }
0xb1: {  	_ =	task.clear_ibuf [dreg:s7], $0x5FFFF;
	_ =	strace $0x90000046  }
0xb2: {  	s29 =	simm.s32 $0x9;
	_ =	strace $0x80000048  }
0xb3: {  	_ =	swait.ge [sflag:s29], $0x1  }
0xb4: {  	[sflag:s29] =	ssyncadd.s32 $0xFFFFFFFF  }
0xb5: {  	_ =	strace $0x90000048  }
0xb6: {  	_ =	sfence  }
0xb7: {  	s30 =	sld [smem:$0x0];
	_ =	sdelay $0x2  }
0xb8: {  	s31 =	sshll.u32 s1, $0xD;
	s1 =	sshrl.u32 s1, $0x2  }
0xb9: {  	s3 =	sand.u32 $0x4000, s31;
	s1 =	sadd.s32 s1, s30  }
0xba: {  	s0 =	sor.u32 s3, s0;
	s1 =	sshll.u32 s1, $0x11  }
0xbb: {  	s0 =	sor.u32 s1, s0  }
0xbc: {  	s0 =	sadd.s32 $0x8F2B, s0  }
0xbd: {  	[sflag:s0] =	ssyncadd.remote.s32 $0x1  }
0xbe: {  	_ =	sfence.sel $0xFFFF  }
0xbf: {  	[dreg:$0x0] =	wrdreg $0xFFFFFFFF;
	(pc) =	sbr.abs _section_cstart, $3  }
0xc0: {  	[dreg:$0x1] =	wrdreg $0xFFFFFFFF  }
0xc1: {  	_ =	task.clear_ibuf [dreg:s7], $0x2FFFF;
	_ =	strace $0x9FFFFFFF  }
0xc2: {  	(tm) =	ssettm $0x7FFFFFFF  }
0xc3: {  	_ =	shalt  }
tec
execute0_lowered:
.L_overlay_start_1:
0x0: {  	(tag) =	ssettag $0x1  }
0x1: {  	s0 =	rddreg [dreg:$0x0]  }
0x2: {  	s1 =	rddreg [dreg:$0x1];
	s2 =	simm.s32 $0x0  }
0x3: {  	s3 =	srdreg.scid;
	s7 =	stileid.u32;
	s9 =	simm.s32 $0x3  }
0x4: {  	s10 =	simm.s32 $0xD00;
	s28 =	simm.s32 $0x15A00;
	s29 =	simm.s32 $0x1780  }
0x5: {  	s30 =	simm.s32 $0x16A00;
	s31 =	simm.s32 $0x1800;
	s11 =	simm.s32 $0x18A00  }
0x6: {  	s12 =	simm.s32 $0x1900;
	s13 =	simm.s32 $0x19A00;
	s14 =	simm.s32 $0x1980  }
0x7: {  	s15 =	simm.s32 $0x1AA00;
	s16 =	simm.s32 $0x1;
	s17 =	simm.s32 $0x20  }
0x8: {  	s18 =	simm.s32 $0x340;
	s19 =	simm.s32 $0x2;
	s20 =	simm.s32 $0x0  }
0x9: {  	[smem:$0x7FF] =	sst s2;
	s4 =	sand.u32 $0x1, s3;
	s5 =	smul.u32 $0x34000, s7  }
0xa: {  	s3 =	sadd.s32 $0xE00, s0;
	s7 =	sshll.u32 s7, $0x8;
	_ =	strace $0x80000047  }
0xb: {  	s6 =	smul.u32 $0x1A000, s4;
	s8 =	sshll.u32 s4, $0x7;
	s4 =	ssub.s32 $0x2, s4  }
0xc: {  	s24 =	sor.u32 s8, s7;
	s25 =	sshrl.u32 s4, $0x1;
	s7 =	simm.s32 $0x80  }
0xd: {  	s8 =	simm.s32 $0x1000;
	s5 =	sadd.s32 s6, s5;
	s6 =	sshrl.u32 s24, $0x3  }
0xe: {  	s26 =	ssub.s32 s4, s25;
	s5 =	sshrl.u32 s5, $0x3;
	s4 =	sadd.s32 s1, s6  }
0xf: {  	s1 =	simm.s32 $0x1880;
	s0 =	sadd.s32 s5, s0;
	s5 =	smax.u32 s26, $0x1  }
0x10: {  	s26 =	simm.s32 $0x1700;
	s6 =	sadd.s32 $0x9EC000, s0;
	s0 =	simm.s32 $0x17A00  }
.LBB2_1:
0x11: {  	[tilespmem:s2], [sflag:$0x3] =	stream.strided.gather [hbm4b:s4+s7], $0xD00, s8, s7, $0x38;
	[tilespmem:$0x1BA00] =	vst v63  }
0x12: {  	_ =	swait.ge [sflag:s9], $0xD00  }
0x13: {  	[sflag:s9] =	ssyncset.done $0x0  }
0x14: {  	[sflag:s9] =	ssyncadd.s32 $0xFFFFF300  }
0x15: {  	v0 =	vld [tilespmem:s2+$0x0];
	_ =	sdelay $0x1  }
0x16: {  	s21 =	simm.s32 $0x0  }
0x17: {  	s21 =	smul.u32 $0x186A0, s21;
	_ =	sdelay $0x1  }
0x18: {  	v0 =	vadd.s32 s21, v0  }
0x19: {  	s22 =	simm.s32 $0x10;
	[tilespmem:s10+$0x0] =	vst v0  }
0x1a: {  	s23 =	simm.s32 $0x1;
	s24 =	simm.s32 $0x2;
	s21 =	simm.s32 $0xD00;
	v0 =	vld [tilespmem:s22+$0x0]  }
.LBB2_2:
0x1b: {  	p0 =	sne.s32 s24, $0xCF;
	s25 =	sshrl.u32 s23, $0x3  }
0x1c: {  	s23 =	smov.u32 s24;
	s25 =	smul.u32 $0x186A0, s25  }
.Ltmp0:
0x1d: {  	(pc) =	sbr.rel @p0 .LBB2_2-.Ltmp0, $4  }
0x1e: {  	_ = 	snop  }
0x1f: {  	s21 =	sadd.s32 $0x10, s21;
	v0 =	vadd.s32 s25, v0  }
0x20: {  	s22 =	sadd.s32 $0x10, s22;
	[tilespmem:s21+$0x0] =	vst v0  }
0x21: {  	s24 =	sadd.s32 $0x1, s24;
	v0 =	vld [tilespmem:s22+$0x0]  }
0x22: {  	_ = 	snop  }
0x23: {  	s22 =	sshrl.u32 s23, $0x3  }
0x24: {  	s22 =	smul.u32 $0x186A0, s22;
	_ =	sdelay $0x1  }
0x25: {  	s21 =	sadd.s32 $0x10, s21;
	v0 =	vadd.s32 s22, v0  }
0x26: {  	[tilespmem:s21+$0x0] =	vst v0;
	s21 =	simm.s32 $0x1A00  }
0x27: {  	[tilespmem:s21], [sflag:$0x1] =	stream.indirect.gather [hbm4b:s3+s7], $0x20, s10, s7, $0xb8;
	[tilespmem:$0x1BA00] =	vst v63  }
0x28: {  	s24 =	simm.s32 $0xD80;
	s25 =	simm.s32 $0x2A00  }
0x29: {  	[tilespmem:s25], [sflag:$0x1] =	stream.indirect.gather [hbm4b:s3+s7], $0x20, s24, s7, $0xb8;
	[tilespmem:$0x1BA00] =	vst v63  }
0x2a: {  	s24 =	simm.s32 $0xE00;
	s25 =	simm.s32 $0x3A00  }
0x2b: {  	[tilespmem:s25], [sflag:$0x1] =	stream.indirect.gather [hbm4b:s3+s7], $0x20, s24, s7, $0xb8;
	[tilespmem:$0x1BA00] =	vst v63  }
0x2c: {  	s24 =	simm.s32 $0xE80;
	s25 =	simm.s32 $0x4A00  }
0x2d: {  	[tilespmem:s25], [sflag:$0x1] =	stream.indirect.gather [hbm4b:s3+s7], $0x20, s24, s7, $0xb8;
	[tilespmem:$0x1BA00] =	vst v63  }
0x2e: {  	s24 =	simm.s32 $0xF00;
	s25 =	simm.s32 $0x5A00  }
0x2f: {  	[tilespmem:s25], [sflag:$0x1] =	stream.indirect.gather [hbm4b:s3+s7], $0x20, s24, s7, $0xb8;
	[tilespmem:$0x1BA00] =	vst v63  }
0x30: {  	s24 =	simm.s32 $0xF80;
	s25 =	simm.s32 $0x6A00  }
0x31: {  	[tilespmem:s25], [sflag:$0x1] =	stream.indirect.gather [hbm4b:s3+s7], $0x20, s24, s7, $0xb8;
	[tilespmem:$0x1BA00] =	vst v63  }
0x32: {  	s23 =	simm.s32 $0x7A00  }
0x33: {  	[tilespmem:s23], [sflag:$0x1] =	stream.indirect.gather [hbm4b:s3+s7], $0x20, s8, s7, $0xb8;
	[tilespmem:$0x1BA00] =	vst v63  }
0x34: {  	s24 =	simm.s32 $0x1080;
	s25 =	simm.s32 $0x8A00  }
0x35: {  	[tilespmem:s25], [sflag:$0x1] =	stream.indirect.gather [hbm4b:s3+s7], $0x20, s24, s7, $0xb8;
	[tilespmem:$0x1BA00] =	vst v63  }
0x36: {  	s24 =	simm.s32 $0x1100;
	s25 =	simm.s32 $0x9A00  }
0x37: {  	[tilespmem:s25], [sflag:$0x1] =	stream.indirect.gather [hbm4b:s3+s7], $0x20, s24, s7, $0xb8;
	[tilespmem:$0x1BA00] =	vst v63  }
0x38: {  	s24 =	simm.s32 $0x1180;
	s25 =	simm.s32 $0xAA00  }
0x39: {  	[tilespmem:s25], [sflag:$0x1] =	stream.indirect.gather [hbm4b:s3+s7], $0x20, s24, s7, $0xb8;
	[tilespmem:$0x1BA00] =	vst v63  }
0x3a: {  	s24 =	simm.s32 $0x1200;
	s25 =	simm.s32 $0xBA00  }
0x3b: {  	[tilespmem:s25], [sflag:$0x1] =	stream.indirect.gather [hbm4b:s3+s7], $0x20, s24, s7, $0xb8;
	[tilespmem:$0x1BA00] =	vst v63  }
0x3c: {  	s24 =	simm.s32 $0x1280;
	s25 =	simm.s32 $0xCA00  }
0x3d: {  	[tilespmem:s25], [sflag:$0x1] =	stream.indirect.gather [hbm4b:s3+s7], $0x20, s24, s7, $0xb8;
	[tilespmem:$0x1BA00] =	vst v63  }
0x3e: {  	s24 =	simm.s32 $0x1300;
	s25 =	simm.s32 $0xDA00  }
0x3f: {  	[tilespmem:s25], [sflag:$0x1] =	stream.indirect.gather [hbm4b:s3+s7], $0x20, s24, s7, $0xb8;
	[tilespmem:$0x1BA00] =	vst v63  }
0x40: {  	s24 =	simm.s32 $0x1380;
	s25 =	simm.s32 $0xEA00  }
0x41: {  	[tilespmem:s25], [sflag:$0x1] =	stream.indirect.gather [hbm4b:s3+s7], $0x20, s24, s7, $0xb8;
	[tilespmem:$0x1BA00] =	vst v63  }
0x42: {  	s24 =	simm.s32 $0x1400;
	s25 =	simm.s32 $0xFA00  }
0x43: {  	[tilespmem:s25], [sflag:$0x1] =	stream.indirect.gather [hbm4b:s3+s7], $0x20, s24, s7, $0xb8;
	[tilespmem:$0x1BA00] =	vst v63  }
0x44: {  	s24 =	simm.s32 $0x1480;
	s25 =	simm.s32 $0x10A00  }
0x45: {  	[tilespmem:s25], [sflag:$0x1] =	stream.indirect.gather [hbm4b:s3+s7], $0x20, s24, s7, $0xb8;
	[tilespmem:$0x1BA00] =	vst v63  }
0x46: {  	s24 =	simm.s32 $0x1500;
	s25 =	simm.s32 $0x11A00  }
0x47: {  	[tilespmem:s25], [sflag:$0x1] =	stream.indirect.gather [hbm4b:s3+s7], $0x20, s24, s7, $0xb8;
	[tilespmem:$0x1BA00] =	vst v63  }
0x48: {  	s24 =	simm.s32 $0x1580;
	s25 =	simm.s32 $0x12A00  }
0x49: {  	[tilespmem:s25], [sflag:$0x1] =	stream.indirect.gather [hbm4b:s3+s7], $0x20, s24, s7, $0xb8;
	[tilespmem:$0x1BA00] =	vst v63  }
0x4a: {  	s24 =	simm.s32 $0x1600;
	s25 =	simm.s32 $0x13A00  }
0x4b: {  	[tilespmem:s25], [sflag:$0x1] =	stream.indirect.gather [hbm4b:s3+s7], $0x20, s24, s7, $0xb8;
	[tilespmem:$0x1BA00] =	vst v63  }
0x4c: {  	s24 =	simm.s32 $0x1680;
	s25 =	simm.s32 $0x14A00  }
0x4d: {  	[tilespmem:s25], [sflag:$0x1] =	stream.indirect.gather [hbm4b:s3+s7], $0x20, s24, s7, $0xb8;
	[tilespmem:$0x1BA00] =	vst v63  }
0x4e: {  	_ = 	snop  }
0x4f: {  	[tilespmem:s28], [sflag:$0x1] =	stream.indirect.gather [hbm4b:s3+s7], $0x20, s26, s7, $0xb8;
	[tilespmem:$0x1BA00] =	vst v63  }
0x50: {  	_ = 	snop  }
0x51: {  	[tilespmem:s30], [sflag:$0x1] =	stream.indirect.gather [hbm4b:s3+s7], $0x20, s29, s7, $0xb8;
	[tilespmem:$0x1BA00] =	vst v63  }
0x52: {  	_ = 	snop  }
0x53: {  	[tilespmem:s0], [sflag:$0x1] =	stream.indirect.gather [hbm4b:s3+s7], $0x20, s31, s7, $0xb8;
	[tilespmem:$0x1BA00] =	vst v63  }
0x54: {  	_ = 	snop  }
0x55: {  	[tilespmem:s11], [sflag:$0x1] =	stream.indirect.gather [hbm4b:s3+s7], $0x20, s1, s7, $0xb8;
	[tilespmem:$0x1BA00] =	vst v63  }
0x56: {  	_ = 	snop  }
0x57: {  	[tilespmem:s13], [sflag:$0x1] =	stream.indirect.gather [hbm4b:s3+s7], $0x20, s12, s7, $0xb8;
	[tilespmem:$0x1BA00] =	vst v63  }
0x58: {  	_ = 	snop  }
0x59: {  	[tilespmem:s15], [sflag:$0x1] =	stream.indirect.gather [hbm4b:s3+s7], $0x20, s14, s7, $0xb8;
	[tilespmem:$0x1BA00] =	vst v63  }
0x5a: {  	_ =	swait.ge [sflag:s16], $0x1000  }
0x5b: {  	[sflag:s16] =	ssyncset.done $0x0  }
0x5c: {  	[sflag:s16] =	ssyncadd.s32 $0xFFFFF000  }
0x5d: {  	_ =	swait.ge [sflag:s16], $0x1000  }
0x5e: {  	[sflag:s16] =	ssyncset.done $0x0  }
0x5f: {  	[sflag:s16] =	ssyncadd.s32 $0xFFFFF000  }
0x60: {  	_ =	swait.ge [sflag:s16], $0x1000  }
0x61: {  	[sflag:s16] =	ssyncset.done $0x0  }
0x62: {  	[sflag:s16] =	ssyncadd.s32 $0xFFFFF000  }
0x63: {  	_ =	swait.ge [sflag:s16], $0x1000  }
0x64: {  	[sflag:s16] =	ssyncset.done $0x0  }
0x65: {  	[sflag:s16] =	ssyncadd.s32 $0xFFFFF000  }
0x66: {  	_ =	swait.ge [sflag:s16], $0x1000  }
0x67: {  	[sflag:s16] =	ssyncset.done $0x0  }
0x68: {  	[sflag:s16] =	ssyncadd.s32 $0xFFFFF000  }
0x69: {  	_ =	swait.ge [sflag:s16], $0x1000  }
0x6a: {  	[sflag:s16] =	ssyncset.done $0x0  }
0x6b: {  	[sflag:s16] =	ssyncadd.s32 $0xFFFFF000  }
0x6c: {  	_ =	swait.ge [sflag:s16], $0x1000  }
0x6d: {  	[sflag:s16] =	ssyncset.done $0x0  }
0x6e: {  	[sflag:s16] =	ssyncadd.s32 $0xFFFFF000  }
0x6f: {  	_ =	swait.ge [sflag:s16], $0x1000  }
0x70: {  	[sflag:s16] =	ssyncset.done $0x0  }
0x71: {  	[sflag:s16] =	ssyncadd.s32 $0xFFFFF000  }
0x72: {  	_ =	swait.ge [sflag:s16], $0x1000  }
0x73: {  	[sflag:s16] =	ssyncset.done $0x0  }
0x74: {  	[sflag:s16] =	ssyncadd.s32 $0xFFFFF000  }
0x75: {  	_ =	swait.ge [sflag:s16], $0x1000  }
0x76: {  	[sflag:s16] =	ssyncset.done $0x0  }
0x77: {  	[sflag:s16] =	ssyncadd.s32 $0xFFFFF000  }
0x78: {  	_ =	swait.ge [sflag:s16], $0x1000  }
0x79: {  	[sflag:s16] =	ssyncset.done $0x0  }
0x7a: {  	[sflag:s16] =	ssyncadd.s32 $0xFFFFF000  }
0x7b: {  	_ =	swait.ge [sflag:s16], $0x1000  }
0x7c: {  	[sflag:s16] =	ssyncset.done $0x0  }
0x7d: {  	[sflag:s16] =	ssyncadd.s32 $0xFFFFF000  }
0x7e: {  	_ =	swait.ge [sflag:s16], $0x1000  }
0x7f: {  	[sflag:s16] =	ssyncset.done $0x0  }
0x80: {  	[sflag:s16] =	ssyncadd.s32 $0xFFFFF000  }
0x81: {  	_ =	swait.ge [sflag:s16], $0x1000  }
0x82: {  	[sflag:s16] =	ssyncset.done $0x0  }
0x83: {  	[sflag:s16] =	ssyncadd.s32 $0xFFFFF000  }
0x84: {  	_ =	swait.ge [sflag:s16], $0x1000  }
0x85: {  	[sflag:s16] =	ssyncset.done $0x0  }
0x86: {  	[sflag:s16] =	ssyncadd.s32 $0xFFFFF000  }
0x87: {  	_ =	swait.ge [sflag:s16], $0x1000  }
0x88: {  	[sflag:s16] =	ssyncset.done $0x0  }
0x89: {  	[sflag:s16] =	ssyncadd.s32 $0xFFFFF000  }
0x8a: {  	_ =	swait.ge [sflag:s16], $0x1000  }
0x8b: {  	[sflag:s16] =	ssyncset.done $0x0  }
0x8c: {  	[sflag:s16] =	ssyncadd.s32 $0xFFFFF000  }
0x8d: {  	_ =	swait.ge [sflag:s16], $0x1000  }
0x8e: {  	[sflag:s16] =	ssyncset.done $0x0  }
0x8f: {  	[sflag:s16] =	ssyncadd.s32 $0xFFFFF000  }
0x90: {  	_ =	swait.ge [sflag:s16], $0x1000  }
0x91: {  	[sflag:s16] =	ssyncset.done $0x0  }
0x92: {  	[sflag:s16] =	ssyncadd.s32 $0xFFFFF000  }
0x93: {  	_ =	swait.ge [sflag:s16], $0x1000  }
0x94: {  	[sflag:s16] =	ssyncset.done $0x0  }
0x95: {  	[sflag:s16] =	ssyncadd.s32 $0xFFFFF000  }
0x96: {  	_ =	swait.ge [sflag:s16], $0x1000  }
0x97: {  	[sflag:s16] =	ssyncset.done $0x0  }
0x98: {  	[sflag:s16] =	ssyncadd.s32 $0xFFFFF000  }
0x99: {  	_ =	swait.ge [sflag:s16], $0x1000  }
0x9a: {  	[sflag:s16] =	ssyncset.done $0x0  }
0x9b: {  	[sflag:s16] =	ssyncadd.s32 $0xFFFFF000  }
0x9c: {  	_ =	swait.ge [sflag:s16], $0x1000  }
0x9d: {  	[sflag:s16] =	ssyncset.done $0x0  }
0x9e: {  	[sflag:s16] =	ssyncadd.s32 $0xFFFFF000  }
0x9f: {  	_ =	swait.ge [sflag:s16], $0x1000  }
0xa0: {  	[sflag:s16] =	ssyncset.done $0x0  }
0xa1: {  	[sflag:s16] =	ssyncadd.s32 $0xFFFFF000  }
0xa2: {  	_ =	swait.ge [sflag:s16], $0x1000  }
0xa3: {  	[sflag:s16] =	ssyncset.done $0x0  }
0xa4: {  	[sflag:s16] =	ssyncadd.s32 $0xFFFFF000  }
0xa5: {  	_ =	swait.ge [sflag:s16], $0x1000  }
0xa6: {  	s22 =	simm.s32 $0x4;
	[sflag:s16] =	ssyncset.done $0x0  }
0xa7: {  	s23 =	simm.s32 $0x2A00;
	s24 =	sadd.s32 $0x0, s6;
	[sflag:s16] =	ssyncadd.s32 $0xFFFFF000  }
.LBB2_4:
0xa8: {  	[hbm4b:s24+s17] =	stream.strided.scatter [tilespmem:s21], [sflag:$0x2], $0x1000, s18, s17, $0x38;
	[tilespmem:$0x1BA00] =	vst v63  }
0xa9: {  	s24 =	smov.u32 s22;
	s21 =	smov.u32 s23;
	p0 =	sne.s32 s22, $0x64  }
.Ltmp1:
0xaa: {  	s22 =	sadd.s32 $0x4, s22;
	(pc) =	sbr.rel @p0 .LBB2_4-.Ltmp1, $2  }
0xab: {  	_ =	sdelay $0x2  }
0xac: {  	s23 =	sadd.s32 $0x1000, s23;
	s24 =	sadd.s32 s24, s6  }
0xad: {  	[hbm4b:s24+s17] =	stream.strided.scatter [tilespmem:s21], [sflag:$0x2], $0x1000, s18, s17, $0x38;
	[tilespmem:$0x1BA00] =	vst v63  }
0xae: {  	_ =	swait.ge [sflag:s19], $0x1000  }
0xaf: {  	[sflag:s19] =	ssyncset.done $0x0  }
0xb0: {  	[sflag:s19] =	ssyncadd.s32 $0xFFFFF000  }
0xb1: {  	_ =	swait.ge [sflag:s19], $0x1000  }
0xb2: {  	[sflag:s19] =	ssyncset.done $0x0  }
0xb3: {  	[sflag:s19] =	ssyncadd.s32 $0xFFFFF000  }
0xb4: {  	_ =	swait.ge [sflag:s19], $0x1000  }
0xb5: {  	[sflag:s19] =	ssyncset.done $0x0  }
0xb6: {  	[sflag:s19] =	ssyncadd.s32 $0xFFFFF000  }
0xb7: {  	_ =	swait.ge [sflag:s19], $0x1000  }
0xb8: {  	[sflag:s19] =	ssyncset.done $0x0  }
0xb9: {  	[sflag:s19] =	ssyncadd.s32 $0xFFFFF000  }
0xba: {  	_ =	swait.ge [sflag:s19], $0x1000  }
0xbb: {  	[sflag:s19] =	ssyncset.done $0x0  }
0xbc: {  	[sflag:s19] =	ssyncadd.s32 $0xFFFFF000  }
0xbd: {  	_ =	swait.ge [sflag:s19], $0x1000  }
0xbe: {  	[sflag:s19] =	ssyncset.done $0x0  }
0xbf: {  	[sflag:s19] =	ssyncadd.s32 $0xFFFFF000  }
0xc0: {  	_ =	swait.ge [sflag:s19], $0x1000  }
0xc1: {  	[sflag:s19] =	ssyncset.done $0x0  }
0xc2: {  	[sflag:s19] =	ssyncadd.s32 $0xFFFFF000  }
0xc3: {  	_ =	swait.ge [sflag:s19], $0x1000  }
0xc4: {  	[sflag:s19] =	ssyncset.done $0x0  }
0xc5: {  	[sflag:s19] =	ssyncadd.s32 $0xFFFFF000  }
0xc6: {  	_ =	swait.ge [sflag:s19], $0x1000  }
0xc7: {  	[sflag:s19] =	ssyncset.done $0x0  }
0xc8: {  	[sflag:s19] =	ssyncadd.s32 $0xFFFFF000  }
0xc9: {  	_ =	swait.ge [sflag:s19], $0x1000  }
0xca: {  	[sflag:s19] =	ssyncset.done $0x0  }
0xcb: {  	[sflag:s19] =	ssyncadd.s32 $0xFFFFF000  }
0xcc: {  	_ =	swait.ge [sflag:s19], $0x1000  }
0xcd: {  	[sflag:s19] =	ssyncset.done $0x0  }
0xce: {  	[sflag:s19] =	ssyncadd.s32 $0xFFFFF000  }
0xcf: {  	_ =	swait.ge [sflag:s19], $0x1000  }
0xd0: {  	[sflag:s19] =	ssyncset.done $0x0  }
0xd1: {  	[sflag:s19] =	ssyncadd.s32 $0xFFFFF000  }
0xd2: {  	_ =	swait.ge [sflag:s19], $0x1000  }
0xd3: {  	[sflag:s19] =	ssyncset.done $0x0  }
0xd4: {  	[sflag:s19] =	ssyncadd.s32 $0xFFFFF000  }
0xd5: {  	_ =	swait.ge [sflag:s19], $0x1000  }
0xd6: {  	[sflag:s19] =	ssyncset.done $0x0  }
0xd7: {  	[sflag:s19] =	ssyncadd.s32 $0xFFFFF000  }
0xd8: {  	_ =	swait.ge [sflag:s19], $0x1000  }
0xd9: {  	[sflag:s19] =	ssyncset.done $0x0  }
0xda: {  	[sflag:s19] =	ssyncadd.s32 $0xFFFFF000  }
0xdb: {  	_ =	swait.ge [sflag:s19], $0x1000  }
0xdc: {  	[sflag:s19] =	ssyncset.done $0x0  }
0xdd: {  	[sflag:s19] =	ssyncadd.s32 $0xFFFFF000  }
0xde: {  	_ =	swait.ge [sflag:s19], $0x1000  }
0xdf: {  	[sflag:s19] =	ssyncset.done $0x0  }
0xe0: {  	[sflag:s19] =	ssyncadd.s32 $0xFFFFF000  }
0xe1: {  	_ =	swait.ge [sflag:s19], $0x1000  }
0xe2: {  	[sflag:s19] =	ssyncset.done $0x0  }
0xe3: {  	[sflag:s19] =	ssyncadd.s32 $0xFFFFF000  }
0xe4: {  	_ =	swait.ge [sflag:s19], $0x1000  }
0xe5: {  	[sflag:s19] =	ssyncset.done $0x0  }
0xe6: {  	[sflag:s19] =	ssyncadd.s32 $0xFFFFF000  }
0xe7: {  	_ =	swait.ge [sflag:s19], $0x1000  }
0xe8: {  	[sflag:s19] =	ssyncset.done $0x0  }
0xe9: {  	[sflag:s19] =	ssyncadd.s32 $0xFFFFF000  }
0xea: {  	_ =	swait.ge [sflag:s19], $0x1000  }
0xeb: {  	[sflag:s19] =	ssyncset.done $0x0  }
0xec: {  	[sflag:s19] =	ssyncadd.s32 $0xFFFFF000  }
0xed: {  	_ =	swait.ge [sflag:s19], $0x1000  }
0xee: {  	[sflag:s19] =	ssyncset.done $0x0  }
0xef: {  	[sflag:s19] =	ssyncadd.s32 $0xFFFFF000  }
0xf0: {  	_ =	swait.ge [sflag:s19], $0x1000  }
0xf1: {  	[sflag:s19] =	ssyncset.done $0x0  }
0xf2: {  	[sflag:s19] =	ssyncadd.s32 $0xFFFFF000  }
0xf3: {  	_ =	swait.ge [sflag:s19], $0x1000  }
0xf4: {  	[sflag:s19] =	ssyncset.done $0x0  }
0xf5: {  	s20 =	sadd.s32 $0x1, s20;
	[sflag:s19] =	ssyncadd.s32 $0xFFFFF000  }
0xf6: {  	p0 =	sne.s32 s20, s5;
	_ =	swait.ge [sflag:s19], $0x1000  }
.Ltmp2:
0xf7: {  	[sflag:s19] =	ssyncset.done $0x0;
	(pc) =	sbr.rel @p0 .LBB2_1-.Ltmp2, $4  }
0xf8: {  	[sflag:s19] =	ssyncadd.s32 $0xFFFFF000  }
0xf9: {  	_ =	swait.ge [sflag:s19], $0x1000  }
0xfa: {  	[sflag:s19] =	ssyncset.done $0x0  }
0xfb: {  	[sflag:s19] =	ssyncadd.s32 $0xFFFFF000  }
0xfc: {  	_ =	sfence.sel $0x180000  }
0xfd: {  	[bflag:$0x0] =	sbarrier.arrive $0xFFFF  }
0xfe: {  	_ =	strace $0x90000047  }
0xff: {  	s0 =	stileid.u32;
	[bflag:$0x2] =	sbarrier.arrive $0xFFFF  }
0x100: {  	p0 =	sne.s32 s0, $0x0;
	s0 =	rddreg [dreg:$0x2]  }
0x101: {  	s0 =	sadd.s32 @!p0 $0x100000, s0  }
0x102: {  	[sflag:s0] =	ssyncadd.tile.s32 @!p0 $0x1;
	_ =	shalt  }
.Lfunc_end2:
_tile_overlayer_lowered:
.L_overlay_start_2:
0x103: {  	(tag) =	ssettag $0x2  }
0x104: {  	s0 =	rddreg [dreg:$0x0];
	s2 =	stileid.u32  }
0x105: {  	s1 =	rddreg [dreg:$0x1];
	p0 =	sne.s32 s2, $0x0  }
0x106: {  	s3 =	rddreg [dreg:$0x2];
	[bflag:$0x3] =	sbarrier.arrive $0xFFFF;
	s2 =	simm.s32 @!p0 $0x1C03  }
0x107: {  	[timem:s3], [sflag:s2] =	dma.local @!p0 [hbm:s0], s1  }
0x108: {  	s0 =	simm.s32 @!p0 $0x3  }
0x109: {  	_ =	swait.ge @!p0 [sflag:s0], s1  }
0x10a: {  	s1 =	ssub.s32 @!p0 $0x0, s1;
	[sflag:s0] =	ssyncset.done @!p0 $0x0  }
0x10b: {  	[sflag:s0] =	ssyncadd.s32 @!p0 s1  }
0x10c: {  	[bflag:$0x3] =	sbarrier.arrive $0xFFFF  }
0x10d: {  	_ =	shalt  }

</sc_bundles>
